<compile_context>
chip_gen: v7x
topology: tpu7x:2x2x1
jax: 0.10.2.dev20260603
libtpu: 0.0.44.dev20260713+nightly
codegen_flags: <defaults>
</compile_context>

<pallas_src>
import functools

import jax
import jax.numpy as jnp
from jax import lax
from jax.experimental import pallas as pl
from jax.experimental.pallas import tpu as pltpu
from jax.experimental.pallas import tpu_sc as plsc

NBINS = 256
VMIN = -4.0
VMAX = 4.0
LANES = 16
NUM_CORES = 2
NUM_SUBCORES = 16
NUM_WORKERS = NUM_CORES * NUM_SUBCORES

SCALE = NBINS / (VMAX - VMIN)


@functools.partial(jax.jit, static_argnums=(1, 2))
def _hist(x, B, N):
    rows_per_worker = B // NUM_WORKERS
    groups = rows_per_worker // LANES
    pairs_per_group = LANES // 2
    total_pairs = rows_per_worker // 2

    mesh = plsc.VectorSubcoreMesh(core_axis_name="c", subcore_axis_name="s")

    @functools.partial(
        pl.kernel,
        mesh=mesh,
        out_type=jax.ShapeDtypeStruct((B, NBINS), jnp.float32),
        scratch_types=[
            pltpu.VMEM((2, N), jnp.float32),
            pltpu.VMEM((2, N), jnp.float32),
            pltpu.VMEM((LANES * NBINS,), jnp.float32),
            pltpu.VMEM((LANES, NBINS), jnp.float32),
        ],
        compiler_params=pltpu.CompilerParams(needs_layout_passes=False),
    )
    def k(x_hbm, out_hbm, bufa, bufb, lhist, outbuf):
        wid = lax.axis_index("s") * NUM_CORES + lax.axis_index("c")
        row0 = wid * rows_per_worker

        lane_i = lax.iota(jnp.int32, LANES) * NBINS
        zeros = jnp.zeros((LANES,), jnp.float32)
        invn = jnp.full((LANES,), 1.0 / N, jnp.float32)
        ones_mask = jnp.ones((LANES,), jnp.bool_)

        def body(sem_a, sem_b):
            def start_pair(pair, buf, sem):
                src = x_hbm.at[pl.ds(row0 + pair * 2, 2)]
                pltpu.make_async_copy(src, buf, sem).start()

            def wait_pair(buf, sem):
                src = x_hbm.at[pl.ds(row0, 2)]
                pltpu.make_async_copy(src, buf, sem).wait()

            def process_row(buf, r, out_slot):
                @plsc.parallel_loop(0, N, LANES, unroll=8)
                def _elem(off):
                    v = buf[r, pl.ds(off, LANES)]
                    t = (v + (-VMIN)) * SCALE
                    t = jnp.minimum(jnp.maximum(t, 0.0), NBINS - 1.0)
                    idx = t.astype(jnp.int32) + lane_i
                    plsc.addupdate_scatter(lhist, [idx], invn, mask=ones_mask)

                @plsc.parallel_loop(0, NBINS, LANES, unroll=2)
                def _red(off):
                    acc = lhist[pl.ds(off, LANES)]
                    lhist[pl.ds(off, LANES)] = zeros
                    for l in range(1, LANES):
                        acc = acc + lhist[pl.ds(l * NBINS + off, LANES)]
                        lhist[pl.ds(l * NBINS + off, LANES)] = zeros
                    outbuf[out_slot, pl.ds(off, LANES)] = acc

            @plsc.parallel_loop(0, LANES * NBINS, LANES, unroll=8)
            def _zero(off):
                lhist[pl.ds(off, LANES)] = zeros

            start_pair(0, bufa, sem_a)

            def group_body(g, _):
                def quad_body(i, _):
                    gp = g * pairs_per_group + 2 * i
                    start_pair(gp + 1, bufb, sem_b)
                    wait_pair(bufa, sem_a)
                    process_row(bufa, 0, 4 * i)
                    process_row(bufa, 1, 4 * i + 1)
                    nxt = jnp.minimum(gp + 2, total_pairs - 1)
                    start_pair(nxt, bufa, sem_a)
                    wait_pair(bufb, sem_b)
                    process_row(bufb, 0, 4 * i + 2)
                    process_row(bufb, 1, 4 * i + 3)
                    return 0

                lax.fori_loop(0, LANES // 4, quad_body, 0)
                gbase = row0 + g * LANES
                pltpu.sync_copy(outbuf, out_hbm.at[pl.ds(gbase, LANES), :])
                return 0

            lax.fori_loop(0, groups, group_body, 0)
            wait_pair(bufa, sem_a)

        pl.run_scoped(
            body,
            sem_a=pltpu.SemaphoreType.DMA(()),
            sem_b=pltpu.SemaphoreType.DMA(()),
        )

    return k(x)


def kernel(input):
    B, N = input.shape
    return _hist(input, B, N)

# --- scband reference (transcript-rebuilt; emitter-appended) ---
"""Pipeline reference for scband-histogram-3547642986677 (READ-ONLY COPY).

The authoritative reference and input builder live on the scoring server;
editing this copy changes nothing except your own understanding.
"""

import jax, jax.numpy as jnp
import numpy as np

NBINS = 256
VMIN = -4.0
VMAX = 4.0


def setup_inputs(seed: int = 0) -> dict:
    key = jax.random.key(seed)
    x = jax.random.normal(key, (4096, 16384), dtype=jnp.float32)
    return {"input": x}


def _row_histograms(x, nbins, vmin, vmax):
    # Faithful to tf.histogram_fixed_width applied per row (input_axis=1):
    # values are bucketized into nbins equal-width bins over [vmin, vmax];
    # out-of-range values clamp into the first/last bin.
    B, N = x.shape
    scaled = (x - vmin) / (vmax - vmin) * nbins
    bins = jnp.clip(jnp.floor(scaled).astype(jnp.int32), 0, nbins - 1)
    row = jnp.arange(B, dtype=jnp.int32)[:, None]
    flat_idx = (bins + row * nbins).reshape(-1)
    counts = jnp.zeros((B * nbins,), dtype=jnp.float32).at[flat_idx].add(1.0)
    return counts.reshape(B, nbins)


def reference(input):
    # Original layer: map_fn of histogram_fixed_width over rows, then
    # normalize by the size of the histogrammed axis (input.shape[1]).
    counts = _row_histograms(input, NBINS, VMIN, VMAX)
    return counts / jnp.float32(input.shape[1])

if __name__ == "__main__":
    import jax
    _d = setup_inputs()
    print(jax.jit(kernel)(*tuple(_d.values())))

</pallas_src>

<mosaic_0001>
#map = affine_map<(d0, d1) -> (0, 0)>
module attributes {stable_mosaic.version = 14 : i64} {
  func.func @k(%arg0: i32, %arg1: i32, %arg2: memref<4096x16384xf32, #tpu.memory_space<hbm>>, %arg3: memref<4096x256xf32, #tpu.memory_space<hbm>>, %arg4: memref<2x16384xf32, #tpu.memory_space<vmem>>, %arg5: memref<2x16384xf32, #tpu.memory_space<vmem>>, %arg6: memref<4096xf32, #tpu.memory_space<vmem>>, %arg7: memref<16x256xf32, #tpu.memory_space<vmem>>) attributes {dimension_semantics = [#tpu.dimension_semantics<core_parallel>, #tpu.dimension_semantics<subcore_parallel>], iteration_bounds = array<i64: 2, 16>, scalar_prefetch = 0 : i64, scratch_operands = 4 : i64, tpu.core_type = #tpu.core_type<sc_vector_subcore>, window_params = [{transform_indices = #map}, {transform_indices = #map}]} {
    %mul3A = arith.constant 2 : i32
    %mul3A_0 = arith.muli %arg1, %mul3A : i32
    %add3A = arith.addi %mul3A_0, %arg0 : i32
    %mul3A_1 = arith.constant 128 : i32
    %mul3A_2 = arith.muli %add3A, %mul3A_1 : i32
    %iota3A = tpu.iota {dimensions = array<i32: 0>} : vector<16xi32>
    %mul3A_3 = arith.constant 256 : i32
    %mul3A_4 = vector.broadcast %mul3A_3 : i32 to vector<16xi32>
    %mul3A_5 = arith.muli %iota3A, %mul3A_4 : vector<16xi32>
    %broadcast_in_dim3A = arith.constant 0.000000e+00 : f32
    %broadcast_in_dim3A_6 = vector.broadcast %broadcast_in_dim3A : f32 to vector<16xf32>
    %broadcast_in_dim3A_7 = arith.constant 6.10351563E-5 : f32
    %broadcast_in_dim3A_8 = vector.broadcast %broadcast_in_dim3A_7 : f32 to vector<16xf32>
    %broadcast_in_dim3A_9 = arith.constant true
    %broadcast_in_dim3A_10 = vector.broadcast %broadcast_in_dim3A_9 : i1 to vector<16xi1>
    "tpu.region"() ({
      %run_scoped3A = tpu.sem_alloc : memref<!tpu.dma_semaphore, #tpu.memory_space<semaphore_mem>>
      %run_scoped3A_11 = tpu.sem_alloc : memref<!tpu.dma_semaphore, #tpu.memory_space<semaphore_mem>>
      %parallel_loop3A = arith.constant 0 : i32
      %parallel_loop3A_12 = arith.constant 4096 : i32
      %parallel_loop3A_13 = arith.constant 16 : i32
      scf.for %parallel_loop3A_28 = %parallel_loop3A to %parallel_loop3A_12 step %parallel_loop3A_13  : i32 {
        %parallel_loop3A_29 = arith.index_cast %parallel_loop3A_28 : i32 to index
        %parallel_loop3A_30 = tpu.vector_load %arg6[%parallel_loop3A_29] {strides = array<i32>} : memref<4096xf32, #tpu.memory_space<vmem>>, vector<16xf32>,
        tpu.vector_store %arg6[%parallel_loop3A_29], %broadcast_in_dim3A_6 {strides = array<i32>} : memref<4096xf32, #tpu.memory_space<vmem>>, vector<16xf32>,
      } {sc.loop_unroll_factor = 8 : i64, sc.parallel_access}
      %add3A_14 = arith.constant 0 : i32
      %add3A_15 = arith.addi %mul3A_2, %add3A_14 : i32
      %dma_start3A = arith.constant 0 : i32
      %dma_start3A_16 = tpu.memref_slice %arg2[%add3A_15, %dma_start3A] : memref<4096x16384xf32, #tpu.memory_space<hbm>> -> memref<2x16384xf32, #tpu.memory_space<hbm>>
      %dma_start3A_17 = arith.constant 0 : i32
      %dma_start3A_18 = tpu.memref_slice %arg2[%add3A_15, %dma_start3A_17] : memref<4096x16384xf32, #tpu.memory_space<hbm>> -> memref<2x16384xf32, #tpu.memory_space<hbm>>
      tpu.enqueue_dma source(%dma_start3A_18 : memref<2x16384xf32, #tpu.memory_space<hbm>>) target(%arg4 : memref<2x16384xf32, #tpu.memory_space<vmem>>) target_semaphore(%run_scoped3A : memref<!tpu.dma_semaphore, #tpu.memory_space<semaphore_mem>>)
      %scan3A = arith.constant 0 : i32
      %scan3A_19 = arith.constant 0 : i32
      %scan3A_20 = arith.constant 8 : i32
      %scan3A_21 = arith.addi %scan3A_19, %scan3A_20 : i32
      %scan3A_22 = arith.constant 1 : i32
      %scan3A_23 = scf.for %scan3A_28 = %scan3A_19 to %scan3A_21 step %scan3A_22 iter_args(%scan3A_29 = %scan3A) -> (i32)  : i32 {
        %scan3A_30 = arith.constant 0 : i32
        %scan3A_31 = arith.constant 0 : i32
        %scan3A_32 = arith.constant 4 : i32
        %scan3A_33 = arith.addi %scan3A_31, %scan3A_32 : i32
        %scan3A_34 = arith.constant 1 : i32
        %scan3A_35 = scf.for %scan3A_41 = %scan3A_31 to %scan3A_33 step %scan3A_34 iter_args(%scan3A_42 = %scan3A_30) -> (i32)  : i32 {
          %mul3A_43 = arith.constant 8 : i32
          %mul3A_44 = arith.muli %scan3A_28, %mul3A_43 : i32
          %mul3A_45 = arith.constant 2 : i32
          %mul3A_46 = arith.muli %mul3A_45, %scan3A_41 : i32
          %add3A_47 = arith.addi %mul3A_44, %mul3A_46 : i32
          %add3A_48 = arith.constant 1 : i32
          %add3A_49 = arith.addi %add3A_47, %add3A_48 : i32
          %mul3A_50 = arith.constant 2 : i32
          %mul3A_51 = arith.muli %add3A_49, %mul3A_50 : i32
          %add3A_52 = arith.addi %mul3A_2, %mul3A_51 : i32
          %dma_start3A_53 = arith.constant 0 : i32
          %dma_start3A_54 = tpu.memref_slice %arg2[%add3A_52, %dma_start3A_53] : memref<4096x16384xf32, #tpu.memory_space<hbm>> -> memref<2x16384xf32, #tpu.memory_space<hbm>>
          %dma_start3A_55 = arith.constant 0 : i32
          %dma_start3A_56 = tpu.memref_slice %arg2[%add3A_52, %dma_start3A_55] : memref<4096x16384xf32, #tpu.memory_space<hbm>> -> memref<2x16384xf32, #tpu.memory_space<hbm>>
          tpu.enqueue_dma source(%dma_start3A_56 : memref<2x16384xf32, #tpu.memory_space<hbm>>) target(%arg5 : memref<2x16384xf32, #tpu.memory_space<vmem>>) target_semaphore(%run_scoped3A_11 : memref<!tpu.dma_semaphore, #tpu.memory_space<semaphore_mem>>)
          %dma_wait3A_57 = arith.constant 0 : i32
          %dma_wait3A_58 = tpu.memref_slice %arg2[%mul3A_2, %dma_wait3A_57] : memref<4096x16384xf32, #tpu.memory_space<hbm>> -> memref<2x16384xf32, #tpu.memory_space<hbm>>
          %dma_wait3A_59 = arith.constant 0 : i32
          %dma_wait3A_60 = tpu.memref_slice %arg2[%mul3A_2, %dma_wait3A_59] : memref<4096x16384xf32, #tpu.memory_space<hbm>> -> memref<2x16384xf32, #tpu.memory_space<hbm>>
          tpu.wait_dma2 semaphore(%run_scoped3A : memref<!tpu.dma_semaphore, #tpu.memory_space<semaphore_mem>>) src(%dma_wait3A_60 : memref<2x16384xf32, #tpu.memory_space<hbm>>) dst(%arg4 : memref<2x16384xf32, #tpu.memory_space<vmem>>)
          %mul3A_61 = arith.constant 4 : i32
          %mul3A_62 = arith.muli %mul3A_61, %scan3A_41 : i32
          %parallel_loop3A_63 = arith.constant 0 : i32
          %parallel_loop3A_64 = arith.constant 16384 : i32
          %parallel_loop3A_65 = arith.constant 16 : i32
          scf.for %parallel_loop3A_114 = %parallel_loop3A_63 to %parallel_loop3A_64 step %parallel_loop3A_65  : i32 {
            %parallel_loop3A_115 = arith.constant 0 : i32
            %parallel_loop3A_116 = arith.index_cast %parallel_loop3A_115 : i32 to index
            %parallel_loop3A_117 = arith.index_cast %parallel_loop3A_114 : i32 to index
            %parallel_loop3A_118 = tpu.vector_load %arg4[%parallel_loop3A_116, %parallel_loop3A_117] {strides = array<i32>} : memref<2x16384xf32, #tpu.memory_space<vmem>>, vector<16xf32>,
            %parallel_loop3A_119 = arith.constant 4.000000e+00 : f32
            %parallel_loop3A_120 = vector.broadcast %parallel_loop3A_119 : f32 to vector<16xf32>
            %parallel_loop3A_121 = arith.addf %parallel_loop3A_118, %parallel_loop3A_120 : vector<16xf32>
            %parallel_loop3A_122 = arith.constant 3.200000e+01 : f32
            %parallel_loop3A_123 = vector.broadcast %parallel_loop3A_122 : f32 to vector<16xf32>
            %parallel_loop3A_124 = arith.mulf %parallel_loop3A_121, %parallel_loop3A_123 : vector<16xf32>
            %parallel_loop3A_125 = arith.constant 0.000000e+00 : f32
            %parallel_loop3A_126 = vector.broadcast %parallel_loop3A_125 : f32 to vector<16xf32>
            %parallel_loop3A_127 = arith.maximumf %parallel_loop3A_124, %parallel_loop3A_126 : vector<16xf32>
            %parallel_loop3A_128 = arith.constant 2.550000e+02 : f32
            %parallel_loop3A_129 = vector.broadcast %parallel_loop3A_128 : f32 to vector<16xf32>
            %parallel_loop3A_130 = arith.minimumf %parallel_loop3A_127, %parallel_loop3A_129 : vector<16xf32>
            %parallel_loop3A_131 = arith.fptosi %parallel_loop3A_130 : vector<16xf32> to vector<16xi32>
            %parallel_loop3A_132 = arith.addi %parallel_loop3A_131, %mul3A_5 : vector<16xi32>
            tpu.vector_store_idx %arg6[%parallel_loop3A_132], %broadcast_in_dim3A_8 masked %broadcast_in_dim3A_10 {add = true} : memref<4096xf32, #tpu.memory_space<vmem>>[vector<16xi32>], vector<16xf32>, vector<16xi1>
          } {sc.loop_unroll_factor = 8 : i64, sc.parallel_access}
          %parallel_loop3A_66 = arith.constant 0 : i32
          %parallel_loop3A_67 = arith.constant 256 : i32
          %parallel_loop3A_68 = arith.constant 16 : i32
          scf.for %parallel_loop3A_114 = %parallel_loop3A_66 to %parallel_loop3A_67 step %parallel_loop3A_68  : i32 {
            %parallel_loop3A_115 = arith.index_cast %parallel_loop3A_114 : i32 to index
            %parallel_loop3A_116 = tpu.vector_load %arg6[%parallel_loop3A_115] {strides = array<i32>} : memref<4096xf32, #tpu.memory_space<vmem>>, vector<16xf32>,
            %parallel_loop3A_117 = arith.index_cast %parallel_loop3A_114 : i32 to index
            %parallel_loop3A_118 = tpu.vector_load %arg6[%parallel_loop3A_117] {strides = array<i32>} : memref<4096xf32, #tpu.memory_space<vmem>>, vector<16xf32>,
            tpu.vector_store %arg6[%parallel_loop3A_117], %broadcast_in_dim3A_6 {strides = array<i32>} : memref<4096xf32, #tpu.memory_space<vmem>>, vector<16xf32>,
            %parallel_loop3A_119 = arith.constant 256 : i32
            %parallel_loop3A_120 = arith.addi %parallel_loop3A_119, %parallel_loop3A_114 : i32
            %parallel_loop3A_121 = arith.index_cast %parallel_loop3A_120 : i32 to index
            %parallel_loop3A_122 = tpu.vector_load %arg6[%parallel_loop3A_121] {strides = array<i32>} : memref<4096xf32, #tpu.memory_space<vmem>>, vector<16xf32>,
            %parallel_loop3A_123 = arith.addf %parallel_loop3A_116, %parallel_loop3A_122 : vector<16xf32>
            %parallel_loop3A_124 = arith.constant 256 : i32
            %parallel_loop3A_125 = arith.addi %parallel_loop3A_124, %parallel_loop3A_114 : i32
            %parallel_loop3A_126 = arith.index_cast %parallel_loop3A_125 : i32 to index
            %parallel_loop3A_127 = tpu.vector_load %arg6[%parallel_loop3A_126] {strides = array<i32>} : memref<4096xf32, #tpu.memory_space<vmem>>, vector<16xf32>,
            tpu.vector_store %arg6[%parallel_loop3A_126], %broadcast_in_dim3A_6 {strides = array<i32>} : memref<4096xf32, #tpu.memory_space<vmem>>, vector<16xf32>,
            %parallel_loop3A_128 = arith.constant 512 : i32
            %parallel_loop3A_129 = arith.addi %parallel_loop3A_128, %parallel_loop3A_114 : i32
            %parallel_loop3A_130 = arith.index_cast %parallel_loop3A_129 : i32 to index
            %parallel_loop3A_131 = tpu.vector_load %arg6[%parallel_loop3A_130] {strides = array<i32>} : memref<4096xf32, #tpu.memory_space<vmem>>, vector<16xf32>,
            %parallel_loop3A_132 = arith.addf %parallel_loop3A_123, %parallel_loop3A_131 : vector<16xf32>
            %parallel_loop3A_133 = arith.constant 512 : i32
            %parallel_loop3A_134 = arith.addi %parallel_loop3A_133, %parallel_loop3A_114 : i32
            %parallel_loop3A_135 = arith.index_cast %parallel_loop3A_134 : i32 to index
            %parallel_loop3A_136 = tpu.vector_load %arg6[%parallel_loop3A_135] {strides = array<i32>} : memref<4096xf32, #tpu.memory_space<vmem>>, vector<16xf32>,
            tpu.vector_store %arg6[%parallel_loop3A_135], %broadcast_in_dim3A_6 {strides = array<i32>} : memref<4096xf32, #tpu.memory_space<vmem>>, vector<16xf32>,
            %parallel_loop3A_137 = arith.constant 768 : i32
            %parallel_loop3A_138 = arith.addi %parallel_loop3A_137, %parallel_loop3A_114 : i32
            %parallel_loop3A_139 = arith.index_cast %parallel_loop3A_138 : i32 to index
            %parallel_loop3A_140 = tpu.vector_load %arg6[%parallel_loop3A_139] {strides = array<i32>} : memref<4096xf32, #tpu.memory_space<vmem>>, vector<16xf32>,
            %parallel_loop3A_141 = arith.addf %parallel_loop3A_132, %parallel_loop3A_140 : vector<16xf32>
            %parallel_loop3A_142 = arith.constant 768 : i32
            %parallel_loop3A_143 = arith.addi %parallel_loop3A_142, %parallel_loop3A_114 : i32
            %parallel_loop3A_144 = arith.index_cast %parallel_loop3A_143 : i32 to index
            %parallel_loop3A_145 = tpu.vector_load %arg6[%parallel_loop3A_144] {strides = array<i32>} : memref<4096xf32, #tpu.memory_space<vmem>>, vector<16xf32>,
            tpu.vector_store %arg6[%parallel_loop3A_144], %broadcast_in_dim3A_6 {strides = array<i32>} : memref<4096xf32, #tpu.memory_space<vmem>>, vector<16xf32>,
            %parallel_loop3A_146 = arith.constant 1024 : i32
            %parallel_loop3A_147 = arith.addi %parallel_loop3A_146, %parallel_loop3A_114 : i32
            %parallel_loop3A_148 = arith.index_cast %parallel_loop3A_147 : i32 to index
            %parallel_loop3A_149 = tpu.vector_load %arg6[%parallel_loop3A_148] {strides = array<i32>} : memref<4096xf32, #tpu.memory_space<vmem>>, vector<16xf32>,
            %parallel_loop3A_150 = arith.addf %parallel_loop3A_141, %parallel_loop3A_149 : vector<16xf32>
            %parallel_loop3A_151 = arith.constant 1024 : i32
            %parallel_loop3A_152 = arith.addi %parallel_loop3A_151, %parallel_loop3A_114 : i32
            %parallel_loop3A_153 = arith.index_cast %parallel_loop3A_152 : i32 to index
            %parallel_loop3A_154 = tpu.vector_load %arg6[%parallel_loop3A_153] {strides = array<i32>} : memref<4096xf32, #tpu.memory_space<vmem>>, vector<16xf32>,
            tpu.vector_store %arg6[%parallel_loop3A_153], %broadcast_in_dim3A_6 {strides = array<i32>} : memref<4096xf32, #tpu.memory_space<vmem>>, vector<16xf32>,
            %parallel_loop3A_155 = arith.constant 1280 : i32
            %parallel_loop3A_156 = arith.addi %parallel_loop3A_155, %parallel_loop3A_114 : i32
            %parallel_loop3A_157 = arith.index_cast %parallel_loop3A_156 : i32 to index
            %parallel_loop3A_158 = tpu.vector_load %arg6[%parallel_loop3A_157] {strides = array<i32>} : memref<4096xf32, #tpu.memory_space<vmem>>, vector<16xf32>,
            %parallel_loop3A_159 = arith.addf %parallel_loop3A_150, %parallel_loop3A_158 : vector<16xf32>
            %parallel_loop3A_160 = arith.constant 1280 : i32
            %parallel_loop3A_161 = arith.addi %parallel_loop3A_160, %parallel_loop3A_114 : i32
            %parallel_loop3A_162 = arith.index_cast %parallel_loop3A_161 : i32 to index
            %parallel_loop3A_163 = tpu.vector_load %arg6[%parallel_loop3A_162] {strides = array<i32>} : memref<4096xf32, #tpu.memory_space<vmem>>, vector<16xf32>,
            tpu.vector_store %arg6[%parallel_loop3A_162], %broadcast_in_dim3A_6 {strides = array<i32>} : memref<4096xf32, #tpu.memory_space<vmem>>, vector<16xf32>,
            %parallel_loop3A_164 = arith.constant 1536 : i32
            %parallel_loop3A_165 = arith.addi %parallel_loop3A_164, %parallel_loop3A_114 : i32
            %parallel_loop3A_166 = arith.index_cast %parallel_loop3A_165 : i32 to index
            %parallel_loop3A_167 = tpu.vector_load %arg6[%parallel_loop3A_166] {strides = array<i32>} : memref<4096xf32, #tpu.memory_space<vmem>>, vector<16xf32>,
            %parallel_loop3A_168 = arith.addf %parallel_loop3A_159, %parallel_loop3A_167 : vector<16xf32>
            %parallel_loop3A_169 = arith.constant 1536 : i32
            %parallel_loop3A_170 = arith.addi %parallel_loop3A_169, %parallel_loop3A_114 : i32
            %parallel_loop3A_171 = arith.index_cast %parallel_loop3A_170 : i32 to index
            %parallel_loop3A_172 = tpu.vector_load %arg6[%parallel_loop3A_171] {strides = array<i32>} : memref<4096xf32, #tpu.memory_space<vmem>>, vector<16xf32>,
            tpu.vector_store %arg6[%parallel_loop3A_171], %broadcast_in_dim3A_6 {strides = array<i32>} : memref<4096xf32, #tpu.memory_space<vmem>>, vector<16xf32>,
            %parallel_loop3A_173 = arith.constant 1792 : i32
            %parallel_loop3A_174 = arith.addi %parallel_loop3A_173, %parallel_loop3A_114 : i32
            %parallel_loop3A_175 = arith.index_cast %parallel_loop3A_174 : i32 to index
            %parallel_loop3A_176 = tpu.vector_load %arg6[%parallel_loop3A_175] {strides = array<i32>} : memref<4096xf32, #tpu.memory_space<vmem>>, vector<16xf32>,
            %parallel_loop3A_177 = arith.addf %parallel_loop3A_168, %parallel_loop3A_176 : vector<16xf32>
            %parallel_loop3A_178 = arith.constant 1792 : i32
            %parallel_loop3A_179 = arith.addi %parallel_loop3A_178, %parallel_loop3A_114 : i32
            %parallel_loop3A_180 = arith.index_cast %parallel_loop3A_179 : i32 to index
            %parallel_loop3A_181 = tpu.vector_load %arg6[%parallel_loop3A_180] {strides = array<i32>} : memref<4096xf32, #tpu.memory_space<vmem>>, vector<16xf32>,
            tpu.vector_store %arg6[%parallel_loop3A_180], %broadcast_in_dim3A_6 {strides = array<i32>} : memref<4096xf32, #tpu.memory_space<vmem>>, vector<16xf32>,
            %parallel_loop3A_182 = arith.constant 2048 : i32
            %parallel_loop3A_183 = arith.addi %parallel_loop3A_182, %parallel_loop3A_114 : i32
            %parallel_loop3A_184 = arith.index_cast %parallel_loop3A_183 : i32 to index
            %parallel_loop3A_185 = tpu.vector_load %arg6[%parallel_loop3A_184] {strides = array<i32>} : memref<4096xf32, #tpu.memory_space<vmem>>, vector<16xf32>,
            %parallel_loop3A_186 = arith.addf %parallel_loop3A_177, %parallel_loop3A_185 : vector<16xf32>
            %parallel_loop3A_187 = arith.constant 2048 : i32
            %parallel_loop3A_188 = arith.addi %parallel_loop3A_187, %parallel_loop3A_114 : i32
            %parallel_loop3A_189 = arith.index_cast %parallel_loop3A_188 : i32 to index
            %parallel_loop3A_190 = tpu.vector_load %arg6[%parallel_loop3A_189] {strides = array<i32>} : memref<4096xf32, #tpu.memory_space<vmem>>, vector<16xf32>,
            tpu.vector_store %arg6[%parallel_loop3A_189], %broadcast_in_dim3A_6 {strides = array<i32>} : memref<4096xf32, #tpu.memory_space<vmem>>, vector<16xf32>,
            %parallel_loop3A_191 = arith.constant 2304 : i32
            %parallel_loop3A_192 = arith.addi %parallel_loop3A_191, %parallel_loop3A_114 : i32
            %parallel_loop3A_193 = arith.index_cast %parallel_loop3A_192 : i32 to index
            %parallel_loop3A_194 = tpu.vector_load %arg6[%parallel_loop3A_193] {strides = array<i32>} : memref<4096xf32, #tpu.memory_space<vmem>>, vector<16xf32>,
            %parallel_loop3A_195 = arith.addf %parallel_loop3A_186, %parallel_loop3A_194 : vector<16xf32>
            %parallel_loop3A_196 = arith.constant 2304 : i32
            %parallel_loop3A_197 = arith.addi %parallel_loop3A_196, %parallel_loop3A_114 : i32
            %parallel_loop3A_198 = arith.index_cast %parallel_loop3A_197 : i32 to index
            %parallel_loop3A_199 = tpu.vector_load %arg6[%parallel_loop3A_198] {strides = array<i32>} : memref<4096xf32, #tpu.memory_space<vmem>>, vector<16xf32>,
            tpu.vector_store %arg6[%parallel_loop3A_198], %broadcast_in_dim3A_6 {strides = array<i32>} : memref<4096xf32, #tpu.memory_space<vmem>>, vector<16xf32>,
            %parallel_loop3A_200 = arith.constant 2560 : i32
            %parallel_loop3A_201 = arith.addi %parallel_loop3A_200, %parallel_loop3A_114 : i32
            %parallel_loop3A_202 = arith.index_cast %parallel_loop3A_201 : i32 to index
            %parallel_loop3A_203 = tpu.vector_load %arg6[%parallel_loop3A_202] {strides = array<i32>} : memref<4096xf32, #tpu.memory_space<vmem>>, vector<16xf32>,
            %parallel_loop3A_204 = arith.addf %parallel_loop3A_195, %parallel_loop3A_203 : vector<16xf32>
            %parallel_loop3A_205 = arith.constant 2560 : i32
            %parallel_loop3A_206 = arith.addi %parallel_loop3A_205, %parallel_loop3A_114 : i32
            %parallel_loop3A_207 = arith.index_cast %parallel_loop3A_206 : i32 to index
            %parallel_loop3A_208 = tpu.vector_load %arg6[%parallel_loop3A_207] {strides = array<i32>} : memref<4096xf32, #tpu.memory_space<vmem>>, vector<16xf32>,
            tpu.vector_store %arg6[%parallel_loop3A_207], %broadcast_in_dim3A_6 {strides = array<i32>} : memref<4096xf32, #tpu.memory_space<vmem>>, vector<16xf32>,
            %parallel_loop3A_209 = arith.constant 2816 : i32
            %parallel_loop3A_210 = arith.addi %parallel_loop3A_209, %parallel_loop3A_114 : i32
            %parallel_loop3A_211 = arith.index_cast %parallel_loop3A_210 : i32 to index
            %parallel_loop3A_212 = tpu.vector_load %arg6[%parallel_loop3A_211] {strides = array<i32>} : memref<4096xf32, #tpu.memory_space<vmem>>, vector<16xf32>,
            %parallel_loop3A_213 = arith.addf %parallel_loop3A_204, %parallel_loop3A_212 : vector<16xf32>
            %parallel_loop3A_214 = arith.constant 2816 : i32
            %parallel_loop3A_215 = arith.addi %parallel_loop3A_214, %parallel_loop3A_114 : i32
            %parallel_loop3A_216 = arith.index_cast %parallel_loop3A_215 : i32 to index
            %parallel_loop3A_217 = tpu.vector_load %arg6[%parallel_loop3A_216] {strides = array<i32>} : memref<4096xf32, #tpu.memory_space<vmem>>, vector<16xf32>,
            tpu.vector_store %arg6[%parallel_loop3A_216], %broadcast_in_dim3A_6 {strides = array<i32>} : memref<4096xf32, #tpu.memory_space<vmem>>, vector<16xf32>,
            %parallel_loop3A_218 = arith.constant 3072 : i32
            %parallel_loop3A_219 = arith.addi %parallel_loop3A_218, %parallel_loop3A_114 : i32
            %parallel_loop3A_220 = arith.index_cast %parallel_loop3A_219 : i32 to index
            %parallel_loop3A_221 = tpu.vector_load %arg6[%parallel_loop3A_220] {strides = array<i32>} : memref<4096xf32, #tpu.memory_space<vmem>>, vector<16xf32>,
            %parallel_loop3A_222 = arith.addf %parallel_loop3A_213, %parallel_loop3A_221 : vector<16xf32>
            %parallel_loop3A_223 = arith.constant 3072 : i32
            %parallel_loop3A_224 = arith.addi %parallel_loop3A_223, %parallel_loop3A_114 : i32
            %parallel_loop3A_225 = arith.index_cast %parallel_loop3A_224 : i32 to index
            %parallel_loop3A_226 = tpu.vector_load %arg6[%parallel_loop3A_225] {strides = array<i32>} : memref<4096xf32, #tpu.memory_space<vmem>>, vector<16xf32>,
            tpu.vector_store %arg6[%parallel_loop3A_225], %broadcast_in_dim3A_6 {strides = array<i32>} : memref<4096xf32, #tpu.memory_space<vmem>>, vector<16xf32>,
            %parallel_loop3A_227 = arith.constant 3328 : i32
            %parallel_loop3A_228 = arith.addi %parallel_loop3A_227, %parallel_loop3A_114 : i32
            %parallel_loop3A_229 = arith.index_cast %parallel_loop3A_228 : i32 to index
            %parallel_loop3A_230 = tpu.vector_load %arg6[%parallel_loop3A_229] {strides = array<i32>} : memref<4096xf32, #tpu.memory_space<vmem>>, vector<16xf32>,
            %parallel_loop3A_231 = arith.addf %parallel_loop3A_222, %parallel_loop3A_230 : vector<16xf32>
            %parallel_loop3A_232 = arith.constant 3328 : i32
            %parallel_loop3A_233 = arith.addi %parallel_loop3A_232, %parallel_loop3A_114 : i32
            %parallel_loop3A_234 = arith.index_cast %parallel_loop3A_233 : i32 to index
            %parallel_loop3A_235 = tpu.vector_load %arg6[%parallel_loop3A_234] {strides = array<i32>} : memref<4096xf32, #tpu.memory_space<vmem>>, vector<16xf32>,
            tpu.vector_store %arg6[%parallel_loop3A_234], %broadcast_in_dim3A_6 {strides = array<i32>} : memref<4096xf32, #tpu.memory_space<vmem>>, vector<16xf32>,
            %parallel_loop3A_236 = arith.constant 3584 : i32
            %parallel_loop3A_237 = arith.addi %parallel_loop3A_236, %parallel_loop3A_114 : i32
            %parallel_loop3A_238 = arith.index_cast %parallel_loop3A_237 : i32 to index
            %parallel_loop3A_239 = tpu.vector_load %arg6[%parallel_loop3A_238] {strides = array<i32>} : memref<4096xf32, #tpu.memory_space<vmem>>, vector<16xf32>,
            %parallel_loop3A_240 = arith.addf %parallel_loop3A_231, %parallel_loop3A_239 : vector<16xf32>
            %parallel_loop3A_241 = arith.constant 3584 : i32
            %parallel_loop3A_242 = arith.addi %parallel_loop3A_241, %parallel_loop3A_114 : i32
            %parallel_loop3A_243 = arith.index_cast %parallel_loop3A_242 : i32 to index
            %parallel_loop3A_244 = tpu.vector_load %arg6[%parallel_loop3A_243] {strides = array<i32>} : memref<4096xf32, #tpu.memory_space<vmem>>, vector<16xf32>,
            tpu.vector_store %arg6[%parallel_loop3A_243], %broadcast_in_dim3A_6 {strides = array<i32>} : memref<4096xf32, #tpu.memory_space<vmem>>, vector<16xf32>,
            %parallel_loop3A_245 = arith.constant 3840 : i32
            %parallel_loop3A_246 = arith.addi %parallel_loop3A_245, %parallel_loop3A_114 : i32
            %parallel_loop3A_247 = arith.index_cast %parallel_loop3A_246 : i32 to index
            %parallel_loop3A_248 = tpu.vector_load %arg6[%parallel_loop3A_247] {strides = array<i32>} : memref<4096xf32, #tpu.memory_space<vmem>>, vector<16xf32>,
            %parallel_loop3A_249 = arith.addf %parallel_loop3A_240, %parallel_loop3A_248 : vector<16xf32>
            %parallel_loop3A_250 = arith.constant 3840 : i32
            %parallel_loop3A_251 = arith.addi %parallel_loop3A_250, %parallel_loop3A_114 : i32
            %parallel_loop3A_252 = arith.index_cast %parallel_loop3A_251 : i32 to index
            %parallel_loop3A_253 = tpu.vector_load %arg6[%parallel_loop3A_252] {strides = array<i32>} : memref<4096xf32, #tpu.memory_space<vmem>>, vector<16xf32>,
            tpu.vector_store %arg6[%parallel_loop3A_252], %broadcast_in_dim3A_6 {strides = array<i32>} : memref<4096xf32, #tpu.memory_space<vmem>>, vector<16xf32>,
            %parallel_loop3A_254 = arith.index_cast %mul3A_62 : i32 to index
            %parallel_loop3A_255 = arith.index_cast %parallel_loop3A_114 : i32 to index
            %parallel_loop3A_256 = tpu.vector_load %arg7[%parallel_loop3A_254, %parallel_loop3A_255] {strides = array<i32>} : memref<16x256xf32, #tpu.memory_space<vmem>>, vector<16xf32>,
            tpu.vector_store %arg7[%parallel_loop3A_254, %parallel_loop3A_255], %parallel_loop3A_249 {strides = array<i32>} : memref<16x256xf32, #tpu.memory_space<vmem>>, vector<16xf32>,
          } {sc.loop_unroll_factor = 2 : i64, sc.parallel_access}
          %mul3A_69 = arith.constant 4 : i32
          %mul3A_70 = arith.muli %mul3A_69, %scan3A_41 : i32
          %add3A_71 = arith.constant 1 : i32
          %add3A_72 = arith.addi %mul3A_70, %add3A_71 : i32
          %parallel_loop3A_73 = arith.constant 0 : i32
          %parallel_loop3A_74 = arith.constant 16384 : i32
          %parallel_loop3A_75 = arith.constant 16 : i32
          scf.for %parallel_loop3A_114 = %parallel_loop3A_73 to %parallel_loop3A_74 step %parallel_loop3A_75  : i32 {
            %parallel_loop3A_115 = arith.constant 1 : i32
            %parallel_loop3A_116 = arith.index_cast %parallel_loop3A_115 : i32 to index
            %parallel_loop3A_117 = arith.index_cast %parallel_loop3A_114 : i32 to index
            %parallel_loop3A_118 = tpu.vector_load %arg4[%parallel_loop3A_116, %parallel_loop3A_117] {strides = array<i32>} : memref<2x16384xf32, #tpu.memory_space<vmem>>, vector<16xf32>,
            %parallel_loop3A_119 = arith.constant 4.000000e+00 : f32
            %parallel_loop3A_120 = vector.broadcast %parallel_loop3A_119 : f32 to vector<16xf32>
            %parallel_loop3A_121 = arith.addf %parallel_loop3A_118, %parallel_loop3A_120 : vector<16xf32>
            %parallel_loop3A_122 = arith.constant 3.200000e+01 : f32
            %parallel_loop3A_123 = vector.broadcast %parallel_loop3A_122 : f32 to vector<16xf32>
            %parallel_loop3A_124 = arith.mulf %parallel_loop3A_121, %parallel_loop3A_123 : vector<16xf32>
            %parallel_loop3A_125 = arith.constant 0.000000e+00 : f32
            %parallel_loop3A_126 = vector.broadcast %parallel_loop3A_125 : f32 to vector<16xf32>
            %parallel_loop3A_127 = arith.maximumf %parallel_loop3A_124, %parallel_loop3A_126 : vector<16xf32>
            %parallel_loop3A_128 = arith.constant 2.550000e+02 : f32
            %parallel_loop3A_129 = vector.broadcast %parallel_loop3A_128 : f32 to vector<16xf32>
            %parallel_loop3A_130 = arith.minimumf %parallel_loop3A_127, %parallel_loop3A_129 : vector<16xf32>
            %parallel_loop3A_131 = arith.fptosi %parallel_loop3A_130 : vector<16xf32> to vector<16xi32>
            %parallel_loop3A_132 = arith.addi %parallel_loop3A_131, %mul3A_5 : vector<16xi32>
            tpu.vector_store_idx %arg6[%parallel_loop3A_132], %broadcast_in_dim3A_8 masked %broadcast_in_dim3A_10 {add = true} : memref<4096xf32, #tpu.memory_space<vmem>>[vector<16xi32>], vector<16xf32>, vector<16xi1>
          } {sc.loop_unroll_factor = 8 : i64, sc.parallel_access}
          %parallel_loop3A_76 = arith.constant 0 : i32
          %parallel_loop3A_77 = arith.constant 256 : i32
          %parallel_loop3A_78 = arith.constant 16 : i32
          scf.for %parallel_loop3A_114 = %parallel_loop3A_76 to %parallel_loop3A_77 step %parallel_loop3A_78  : i32 {
            %parallel_loop3A_115 = arith.index_cast %parallel_loop3A_114 : i32 to index
            %parallel_loop3A_116 = tpu.vector_load %arg6[%parallel_loop3A_115] {strides = array<i32>} : memref<4096xf32, #tpu.memory_space<vmem>>, vector<16xf32>,
            %parallel_loop3A_117 = arith.index_cast %parallel_loop3A_114 : i32 to index
            %parallel_loop3A_118 = tpu.vector_load %arg6[%parallel_loop3A_117] {strides = array<i32>} : memref<4096xf32, #tpu.memory_space<vmem>>, vector<16xf32>,
            tpu.vector_store %arg6[%parallel_loop3A_117], %broadcast_in_dim3A_6 {strides = array<i32>} : memref<4096xf32, #tpu.memory_space<vmem>>, vector<16xf32>,
            %parallel_loop3A_119 = arith.constant 256 : i32
            %parallel_loop3A_120 = arith.addi %parallel_loop3A_119, %parallel_loop3A_114 : i32
            %parallel_loop3A_121 = arith.index_cast %parallel_loop3A_120 : i32 to index
            %parallel_loop3A_122 = tpu.vector_load %arg6[%parallel_loop3A_121] {strides = array<i32>} : memref<4096xf32, #tpu.memory_space<vmem>>, vector<16xf32>,
            %parallel_loop3A_123 = arith.addf %parallel_loop3A_116, %parallel_loop3A_122 : vector<16xf32>
            %parallel_loop3A_124 = arith.constant 256 : i32
            %parallel_loop3A_125 = arith.addi %parallel_loop3A_124, %parallel_loop3A_114 : i32
            %parallel_loop3A_126 = arith.index_cast %parallel_loop3A_125 : i32 to index
            %parallel_loop3A_127 = tpu.vector_load %arg6[%parallel_loop3A_126] {strides = array<i32>} : memref<4096xf32, #tpu.memory_space<vmem>>, vector<16xf32>,
            tpu.vector_store %arg6[%parallel_loop3A_126], %broadcast_in_dim3A_6 {strides = array<i32>} : memref<4096xf32, #tpu.memory_space<vmem>>, vector<16xf32>,
            %parallel_loop3A_128 = arith.constant 512 : i32
            %parallel_loop3A_129 = arith.addi %parallel_loop3A_128, %parallel_loop3A_114 : i32
            %parallel_loop3A_130 = arith.index_cast %parallel_loop3A_129 : i32 to index
            %parallel_loop3A_131 = tpu.vector_load %arg6[%parallel_loop3A_130] {strides = array<i32>} : memref<4096xf32, #tpu.memory_space<vmem>>, vector<16xf32>,
            %parallel_loop3A_132 = arith.addf %parallel_loop3A_123, %parallel_loop3A_131 : vector<16xf32>
            %parallel_loop3A_133 = arith.constant 512 : i32
            %parallel_loop3A_134 = arith.addi %parallel_loop3A_133, %parallel_loop3A_114 : i32
            %parallel_loop3A_135 = arith.index_cast %parallel_loop3A_134 : i32 to index
            %parallel_loop3A_136 = tpu.vector_load %arg6[%parallel_loop3A_135] {strides = array<i32>} : memref<4096xf32, #tpu.memory_space<vmem>>, vector<16xf32>,
            tpu.vector_store %arg6[%parallel_loop3A_135], %broadcast_in_dim3A_6 {strides = array<i32>} : memref<4096xf32, #tpu.memory_space<vmem>>, vector<16xf32>,
            %parallel_loop3A_137 = arith.constant 768 : i32
            %parallel_loop3A_138 = arith.addi %parallel_loop3A_137, %parallel_loop3A_114 : i32
            %parallel_loop3A_139 = arith.index_cast %parallel_loop3A_138 : i32 to index
            %parallel_loop3A_140 = tpu.vector_load %arg6[%parallel_loop3A_139] {strides = array<i32>} : memref<4096xf32, #tpu.memory_space<vmem>>, vector<16xf32>,
            %parallel_loop3A_141 = arith.addf %parallel_loop3A_132, %parallel_loop3A_140 : vector<16xf32>
            %parallel_loop3A_142 = arith.constant 768 : i32
            %parallel_loop3A_143 = arith.addi %parallel_loop3A_142, %parallel_loop3A_114 : i32
            %parallel_loop3A_144 = arith.index_cast %parallel_loop3A_143 : i32 to index
            %parallel_loop3A_145 = tpu.vector_load %arg6[%parallel_loop3A_144] {strides = array<i32>} : memref<4096xf32, #tpu.memory_space<vmem>>, vector<16xf32>,
            tpu.vector_store %arg6[%parallel_loop3A_144], %broadcast_in_dim3A_6 {strides = array<i32>} : memref<4096xf32, #tpu.memory_space<vmem>>, vector<16xf32>,
            %parallel_loop3A_146 = arith.constant 1024 : i32
            %parallel_loop3A_147 = arith.addi %parallel_loop3A_146, %parallel_loop3A_114 : i32
            %parallel_loop3A_148 = arith.index_cast %parallel_loop3A_147 : i32 to index
            %parallel_loop3A_149 = tpu.vector_load %arg6[%parallel_loop3A_148] {strides = array<i32>} : memref<4096xf32, #tpu.memory_space<vmem>>, vector<16xf32>,
            %parallel_loop3A_150 = arith.addf %parallel_loop3A_141, %parallel_loop3A_149 : vector<16xf32>
            %parallel_loop3A_151 = arith.constant 1024 : i32
            %parallel_loop3A_152 = arith.addi %parallel_loop3A_151, %parallel_loop3A_114 : i32
            %parallel_loop3A_153 = arith.index_cast %parallel_loop3A_152 : i32 to index
            %parallel_loop3A_154 = tpu.vector_load %arg6[%parallel_loop3A_153] {strides = array<i32>} : memref<4096xf32, #tpu.memory_space<vmem>>, vector<16xf32>,
            tpu.vector_store %arg6[%parallel_loop3A_153], %broadcast_in_dim3A_6 {strides = array<i32>} : memref<4096xf32, #tpu.memory_space<vmem>>, vector<16xf32>,
            %parallel_loop3A_155 = arith.constant 1280 : i32
            %parallel_loop3A_156 = arith.addi %parallel_loop3A_155, %parallel_loop3A_114 : i32
            %parallel_loop3A_157 = arith.index_cast %parallel_loop3A_156 : i32 to index
            %parallel_loop3A_158 = tpu.vector_load %arg6[%parallel_loop3A_157] {strides = array<i32>} : memref<4096xf32, #tpu.memory_space<vmem>>, vector<16xf32>,
            %parallel_loop3A_159 = arith.addf %parallel_loop3A_150, %parallel_loop3A_158 : vector<16xf32>
            %parallel_loop3A_160 = arith.constant 1280 : i32
            %parallel_loop3A_161 = arith.addi %parallel_loop3A_160, %parallel_loop3A_114 : i32
            %parallel_loop3A_162 = arith.index_cast %parallel_loop3A_161 : i32 to index
            %parallel_loop3A_163 = tpu.vector_load %arg6[%parallel_loop3A_162] {strides = array<i32>} : memref<4096xf32, #tpu.memory_space<vmem>>, vector<16xf32>,
            tpu.vector_store %arg6[%parallel_loop3A_162], %broadcast_in_dim3A_6 {strides = array<i32>} : memref<4096xf32, #tpu.memory_space<vmem>>, vector<16xf32>,
            %parallel_loop3A_164 = arith.constant 1536 : i32
            %parallel_loop3A_165 = arith.addi %parallel_loop3A_164, %parallel_loop3A_114 : i32
            %parallel_loop3A_166 = arith.index_cast %parallel_loop3A_165 : i32 to index
            %parallel_loop3A_167 = tpu.vector_load %arg6[%parallel_loop3A_166] {strides = array<i32>} : memref<4096xf32, #tpu.memory_space<vmem>>, vector<16xf32>,
            %parallel_loop3A_168 = arith.addf %parallel_loop3A_159, %parallel_loop3A_167 : vector<16xf32>
            %parallel_loop3A_169 = arith.constant 1536 : i32
            %parallel_loop3A_170 = arith.addi %parallel_loop3A_169, %parallel_loop3A_114 : i32
            %parallel_loop3A_171 = arith.index_cast %parallel_loop3A_170 : i32 to index
            %parallel_loop3A_172 = tpu.vector_load %arg6[%parallel_loop3A_171] {strides = array<i32>} : memref<4096xf32, #tpu.memory_space<vmem>>, vector<16xf32>,
            tpu.vector_store %arg6[%parallel_loop3A_171], %broadcast_in_dim3A_6 {strides = array<i32>} : memref<4096xf32, #tpu.memory_space<vmem>>, vector<16xf32>,
            %parallel_loop3A_173 = arith.constant 1792 : i32
            %parallel_loop3A_174 = arith.addi %parallel_loop3A_173, %parallel_loop3A_114 : i32
            %parallel_loop3A_175 = arith.index_cast %parallel_loop3A_174 : i32 to index
            %parallel_loop3A_176 = tpu.vector_load %arg6[%parallel_loop3A_175] {strides = array<i32>} : memref<4096xf32, #tpu.memory_space<vmem>>, vector<16xf32>,
            %parallel_loop3A_177 = arith.addf %parallel_loop3A_168, %parallel_loop3A_176 : vector<16xf32>
            %parallel_loop3A_178 = arith.constant 1792 : i32
            %parallel_loop3A_179 = arith.addi %parallel_loop3A_178, %parallel_loop3A_114 : i32
            %parallel_loop3A_180 = arith.index_cast %parallel_loop3A_179 : i32 to index
            %parallel_loop3A_181 = tpu.vector_load %arg6[%parallel_loop3A_180] {strides = array<i32>} : memref<4096xf32, #tpu.memory_space<vmem>>, vector<16xf32>,
            tpu.vector_store %arg6[%parallel_loop3A_180], %broadcast_in_dim3A_6 {strides = array<i32>} : memref<4096xf32, #tpu.memory_space<vmem>>, vector<16xf32>,
            %parallel_loop3A_182 = arith.constant 2048 : i32
            %parallel_loop3A_183 = arith.addi %parallel_loop3A_182, %parallel_loop3A_114 : i32
            %parallel_loop3A_184 = arith.index_cast %parallel_loop3A_183 : i32 to index
            %parallel_loop3A_185 = tpu.vector_load %arg6[%parallel_loop3A_184] {strides = array<i32>} : memref<4096xf32, #tpu.memory_space<vmem>>, vector<16xf32>,
            %parallel_loop3A_186 = arith.addf %parallel_loop3A_177, %parallel_loop3A_185 : vector<16xf32>
            %parallel_loop3A_187 = arith.constant 2048 : i32
            %parallel_loop3A_188 = arith.addi %parallel_loop3A_187, %parallel_loop3A_114 : i32
            %parallel_loop3A_189 = arith.index_cast %parallel_loop3A_188 : i32 to index
            %parallel_loop3A_190 = tpu.vector_load %arg6[%parallel_loop3A_189] {strides = array<i32>} : memref<4096xf32, #tpu.memory_space<vmem>>, vector<16xf32>,
            tpu.vector_store %arg6[%parallel_loop3A_189], %broadcast_in_dim3A_6 {strides = array<i32>} : memref<4096xf32, #tpu.memory_space<vmem>>, vector<16xf32>,
            %parallel_loop3A_191 = arith.constant 2304 : i32
            %parallel_loop3A_192 = arith.addi %parallel_loop3A_191, %parallel_loop3A_114 : i32
            %parallel_loop3A_193 = arith.index_cast %parallel_loop3A_192 : i32 to index
            %parallel_loop3A_194 = tpu.vector_load %arg6[%parallel_loop3A_193] {strides = array<i32>} : memref<4096xf32, #tpu.memory_space<vmem>>, vector<16xf32>,
            %parallel_loop3A_195 = arith.addf %parallel_loop3A_186, %parallel_loop3A_194 : vector<16xf32>
            %parallel_loop3A_196 = arith.constant 2304 : i32
            %parallel_loop3A_197 = arith.addi %parallel_loop3A_196, %parallel_loop3A_114 : i32
            %parallel_loop3A_198 = arith.index_cast %parallel_loop3A_197 : i32 to index
            %parallel_loop3A_199 = tpu.vector_load %arg6[%parallel_loop3A_198] {strides = array<i32>} : memref<4096xf32, #tpu.memory_space<vmem>>, vector<16xf32>,
            tpu.vector_store %arg6[%parallel_loop3A_198], %broadcast_in_dim3A_6 {strides = array<i32>} : memref<4096xf32, #tpu.memory_space<vmem>>, vector<16xf32>,
            %parallel_loop3A_200 = arith.constant 2560 : i32
            %parallel_loop3A_201 = arith.addi %parallel_loop3A_200, %parallel_loop3A_114 : i32
            %parallel_loop3A_202 = arith.index_cast %parallel_loop3A_201 : i32 to index
            %parallel_loop3A_203 = tpu.vector_load %arg6[%parallel_loop3A_202] {strides = array<i32>} : memref<4096xf32, #tpu.memory_space<vmem>>, vector<16xf32>,
            %parallel_loop3A_204 = arith.addf %parallel_loop3A_195, %parallel_loop3A_203 : vector<16xf32>
            %parallel_loop3A_205 = arith.constant 2560 : i32
            %parallel_loop3A_206 = arith.addi %parallel_loop3A_205, %parallel_loop3A_114 : i32
            %parallel_loop3A_207 = arith.index_cast %parallel_loop3A_206 : i32 to index
            %parallel_loop3A_208 = tpu.vector_load %arg6[%parallel_loop3A_207] {strides = array<i32>} : memref<4096xf32, #tpu.memory_space<vmem>>, vector<16xf32>,
            tpu.vector_store %arg6[%parallel_loop3A_207], %broadcast_in_dim3A_6 {strides = array<i32>} : memref<4096xf32, #tpu.memory_space<vmem>>, vector<16xf32>,
            %parallel_loop3A_209 = arith.constant 2816 : i32
            %parallel_loop3A_210 = arith.addi %parallel_loop3A_209, %parallel_loop3A_114 : i32
            %parallel_loop3A_211 = arith.index_cast %parallel_loop3A_210 : i32 to index
            %parallel_loop3A_212 = tpu.vector_load %arg6[%parallel_loop3A_211] {strides = array<i32>} : memref<4096xf32, #tpu.memory_space<vmem>>, vector<16xf32>,
            %parallel_loop3A_213 = arith.addf %parallel_loop3A_204, %parallel_loop3A_212 : vector<16xf32>
            %parallel_loop3A_214 = arith.constant 2816 : i32
            %parallel_loop3A_215 = arith.addi %parallel_loop3A_214, %parallel_loop3A_114 : i32
            %parallel_loop3A_216 = arith.index_cast %parallel_loop3A_215 : i32 to index
            %parallel_loop3A_217 = tpu.vector_load %arg6[%parallel_loop3A_216] {strides = array<i32>} : memref<4096xf32, #tpu.memory_space<vmem>>, vector<16xf32>,
            tpu.vector_store %arg6[%parallel_loop3A_216], %broadcast_in_dim3A_6 {strides = array<i32>} : memref<4096xf32, #tpu.memory_space<vmem>>, vector<16xf32>,
            %parallel_loop3A_218 = arith.constant 3072 : i32
            %parallel_loop3A_219 = arith.addi %parallel_loop3A_218, %parallel_loop3A_114 : i32
            %parallel_loop3A_220 = arith.index_cast %parallel_loop3A_219 : i32 to index
            %parallel_loop3A_221 = tpu.vector_load %arg6[%parallel_loop3A_220] {strides = array<i32>} : memref<4096xf32, #tpu.memory_space<vmem>>, vector<16xf32>,
            %parallel_loop3A_222 = arith.addf %parallel_loop3A_213, %parallel_loop3A_221 : vector<16xf32>
            %parallel_loop3A_223 = arith.constant 3072 : i32
            %parallel_loop3A_224 = arith.addi %parallel_loop3A_223, %parallel_loop3A_114 : i32
            %parallel_loop3A_225 = arith.index_cast %parallel_loop3A_224 : i32 to index
            %parallel_loop3A_226 = tpu.vector_load %arg6[%parallel_loop3A_225] {strides = array<i32>} : memref<4096xf32, #tpu.memory_space<vmem>>, vector<16xf32>,
            tpu.vector_store %arg6[%parallel_loop3A_225], %broadcast_in_dim3A_6 {strides = array<i32>} : memref<4096xf32, #tpu.memory_space<vmem>>, vector<16xf32>,
            %parallel_loop3A_227 = arith.constant 3328 : i32
            %parallel_loop3A_228 = arith.addi %parallel_loop3A_227, %parallel_loop3A_114 : i32
            %parallel_loop3A_229 = arith.index_cast %parallel_loop3A_228 : i32 to index
            %parallel_loop3A_230 = tpu.vector_load %arg6[%parallel_loop3A_229] {strides = array<i32>} : memref<4096xf32, #tpu.memory_space<vmem>>, vector<16xf32>,
            %parallel_loop3A_231 = arith.addf %parallel_loop3A_222, %parallel_loop3A_230 : vector<16xf32>
            %parallel_loop3A_232 = arith.constant 3328 : i32
            %parallel_loop3A_233 = arith.addi %parallel_loop3A_232, %parallel_loop3A_114 : i32
            %parallel_loop3A_234 = arith.index_cast %parallel_loop3A_233 : i32 to index
            %parallel_loop3A_235 = tpu.vector_load %arg6[%parallel_loop3A_234] {strides = array<i32>} : memref<4096xf32, #tpu.memory_space<vmem>>, vector<16xf32>,
            tpu.vector_store %arg6[%parallel_loop3A_234], %broadcast_in_dim3A_6 {strides = array<i32>} : memref<4096xf32, #tpu.memory_space<vmem>>, vector<16xf32>,
            %parallel_loop3A_236 = arith.constant 3584 : i32
            %parallel_loop3A_237 = arith.addi %parallel_loop3A_236, %parallel_loop3A_114 : i32
            %parallel_loop3A_238 = arith.index_cast %parallel_loop3A_237 : i32 to index
            %parallel_loop3A_239 = tpu.vector_load %arg6[%parallel_loop3A_238] {strides = array<i32>} : memref<4096xf32, #tpu.memory_space<vmem>>, vector<16xf32>,
            %parallel_loop3A_240 = arith.addf %parallel_loop3A_231, %parallel_loop3A_239 : vector<16xf32>
            %parallel_loop3A_241 = arith.constant 3584 : i32
            %parallel_loop3A_242 = arith.addi %parallel_loop3A_241, %parallel_loop3A_114 : i32
            %parallel_loop3A_243 = arith.index_cast %parallel_loop3A_242 : i32 to index
            %parallel_loop3A_244 = tpu.vector_load %arg6[%parallel_loop3A_243] {strides = array<i32>} : memref<4096xf32, #tpu.memory_space<vmem>>, vector<16xf32>,
            tpu.vector_store %arg6[%parallel_loop3A_243], %broadcast_in_dim3A_6 {strides = array<i32>} : memref<4096xf32, #tpu.memory_space<vmem>>, vector<16xf32>,
            %parallel_loop3A_245 = arith.constant 3840 : i32
            %parallel_loop3A_246 = arith.addi %parallel_loop3A_245, %parallel_loop3A_114 : i32
            %parallel_loop3A_247 = arith.index_cast %parallel_loop3A_246 : i32 to index
            %parallel_loop3A_248 = tpu.vector_load %arg6[%parallel_loop3A_247] {strides = array<i32>} : memref<4096xf32, #tpu.memory_space<vmem>>, vector<16xf32>,
            %parallel_loop3A_249 = arith.addf %parallel_loop3A_240, %parallel_loop3A_248 : vector<16xf32>
            %parallel_loop3A_250 = arith.constant 3840 : i32
            %parallel_loop3A_251 = arith.addi %parallel_loop3A_250, %parallel_loop3A_114 : i32
            %parallel_loop3A_252 = arith.index_cast %parallel_loop3A_251 : i32 to index
            %parallel_loop3A_253 = tpu.vector_load %arg6[%parallel_loop3A_252] {strides = array<i32>} : memref<4096xf32, #tpu.memory_space<vmem>>, vector<16xf32>,
            tpu.vector_store %arg6[%parallel_loop3A_252], %broadcast_in_dim3A_6 {strides = array<i32>} : memref<4096xf32, #tpu.memory_space<vmem>>, vector<16xf32>,
            %parallel_loop3A_254 = arith.index_cast %add3A_72 : i32 to index
            %parallel_loop3A_255 = arith.index_cast %parallel_loop3A_114 : i32 to index
            %parallel_loop3A_256 = tpu.vector_load %arg7[%parallel_loop3A_254, %parallel_loop3A_255] {strides = array<i32>} : memref<16x256xf32, #tpu.memory_space<vmem>>, vector<16xf32>,
            tpu.vector_store %arg7[%parallel_loop3A_254, %parallel_loop3A_255], %parallel_loop3A_249 {strides = array<i32>} : memref<16x256xf32, #tpu.memory_space<vmem>>, vector<16xf32>,
          } {sc.loop_unroll_factor = 2 : i64, sc.parallel_access}
          %add3A_79 = arith.constant 2 : i32
          %add3A_80 = arith.addi %add3A_47, %add3A_79 : i32
          %min3A = arith.constant 63 : i32
          %min3A_81 = arith.minsi %add3A_80, %min3A : i32
          %mul3A_82 = arith.constant 2 : i32
          %mul3A_83 = arith.muli %min3A_81, %mul3A_82 : i32
          %add3A_84 = arith.addi %mul3A_2, %mul3A_83 : i32
          %dma_start3A_85 = arith.constant 0 : i32
          %dma_start3A_86 = tpu.memref_slice %arg2[%add3A_84, %dma_start3A_85] : memref<4096x16384xf32, #tpu.memory_space<hbm>> -> memref<2x16384xf32, #tpu.memory_space<hbm>>
          %dma_start3A_87 = arith.constant 0 : i32
          %dma_start3A_88 = tpu.memref_slice %arg2[%add3A_84, %dma_start3A_87] : memref<4096x16384xf32, #tpu.memory_space<hbm>> -> memref<2x16384xf32, #tpu.memory_space<hbm>>
          tpu.enqueue_dma source(%dma_start3A_88 : memref<2x16384xf32, #tpu.memory_space<hbm>>) target(%arg4 : memref<2x16384xf32, #tpu.memory_space<vmem>>) target_semaphore(%run_scoped3A : memref<!tpu.dma_semaphore, #tpu.memory_space<semaphore_mem>>)
          %dma_wait3A_89 = arith.constant 0 : i32
          %dma_wait3A_90 = tpu.memref_slice %arg2[%mul3A_2, %dma_wait3A_89] : memref<4096x16384xf32, #tpu.memory_space<hbm>> -> memref<2x16384xf32, #tpu.memory_space<hbm>>
          %dma_wait3A_91 = arith.constant 0 : i32
          %dma_wait3A_92 = tpu.memref_slice %arg2[%mul3A_2, %dma_wait3A_91] : memref<4096x16384xf32, #tpu.memory_space<hbm>> -> memref<2x16384xf32, #tpu.memory_space<hbm>>
          tpu.wait_dma2 semaphore(%run_scoped3A_11 : memref<!tpu.dma_semaphore, #tpu.memory_space<semaphore_mem>>) src(%dma_wait3A_92 : memref<2x16384xf32, #tpu.memory_space<hbm>>) dst(%arg5 : memref<2x16384xf32, #tpu.memory_space<vmem>>)
          %mul3A_93 = arith.constant 4 : i32
          %mul3A_94 = arith.muli %mul3A_93, %scan3A_41 : i32
          %add3A_95 = arith.constant 2 : i32
          %add3A_96 = arith.addi %mul3A_94, %add3A_95 : i32
          %parallel_loop3A_97 = arith.constant 0 : i32
          %parallel_loop3A_98 = arith.constant 16384 : i32
          %parallel_loop3A_99 = arith.constant 16 : i32
          scf.for %parallel_loop3A_114 = %parallel_loop3A_97 to %parallel_loop3A_98 step %parallel_loop3A_99  : i32 {
            %parallel_loop3A_115 = arith.constant 0 : i32
            %parallel_loop3A_116 = arith.index_cast %parallel_loop3A_115 : i32 to index
            %parallel_loop3A_117 = arith.index_cast %parallel_loop3A_114 : i32 to index
            %parallel_loop3A_118 = tpu.vector_load %arg5[%parallel_loop3A_116, %parallel_loop3A_117] {strides = array<i32>} : memref<2x16384xf32, #tpu.memory_space<vmem>>, vector<16xf32>,
            %parallel_loop3A_119 = arith.constant 4.000000e+00 : f32
            %parallel_loop3A_120 = vector.broadcast %parallel_loop3A_119 : f32 to vector<16xf32>
            %parallel_loop3A_121 = arith.addf %parallel_loop3A_118, %parallel_loop3A_120 : vector<16xf32>
            %parallel_loop3A_122 = arith.constant 3.200000e+01 : f32
            %parallel_loop3A_123 = vector.broadcast %parallel_loop3A_122 : f32 to vector<16xf32>
            %parallel_loop3A_124 = arith.mulf %parallel_loop3A_121, %parallel_loop3A_123 : vector<16xf32>
            %parallel_loop3A_125 = arith.constant 0.000000e+00 : f32
            %parallel_loop3A_126 = vector.broadcast %parallel_loop3A_125 : f32 to vector<16xf32>
            %parallel_loop3A_127 = arith.maximumf %parallel_loop3A_124, %parallel_loop3A_126 : vector<16xf32>
            %parallel_loop3A_128 = arith.constant 2.550000e+02 : f32
            %parallel_loop3A_129 = vector.broadcast %parallel_loop3A_128 : f32 to vector<16xf32>
            %parallel_loop3A_130 = arith.minimumf %parallel_loop3A_127, %parallel_loop3A_129 : vector<16xf32>
            %parallel_loop3A_131 = arith.fptosi %parallel_loop3A_130 : vector<16xf32> to vector<16xi32>
            %parallel_loop3A_132 = arith.addi %parallel_loop3A_131, %mul3A_5 : vector<16xi32>
            tpu.vector_store_idx %arg6[%parallel_loop3A_132], %broadcast_in_dim3A_8 masked %broadcast_in_dim3A_10 {add = true} : memref<4096xf32, #tpu.memory_space<vmem>>[vector<16xi32>], vector<16xf32>, vector<16xi1>
          } {sc.loop_unroll_factor = 8 : i64, sc.parallel_access}
          %parallel_loop3A_100 = arith.constant 0 : i32
          %parallel_loop3A_101 = arith.constant 256 : i32
          %parallel_loop3A_102 = arith.constant 16 : i32
          scf.for %parallel_loop3A_114 = %parallel_loop3A_100 to %parallel_loop3A_101 step %parallel_loop3A_102  : i32 {
            %parallel_loop3A_115 = arith.index_cast %parallel_loop3A_114 : i32 to index
            %parallel_loop3A_116 = tpu.vector_load %arg6[%parallel_loop3A_115] {strides = array<i32>} : memref<4096xf32, #tpu.memory_space<vmem>>, vector<16xf32>,
            %parallel_loop3A_117 = arith.index_cast %parallel_loop3A_114 : i32 to index
            %parallel_loop3A_118 = tpu.vector_load %arg6[%parallel_loop3A_117] {strides = array<i32>} : memref<4096xf32, #tpu.memory_space<vmem>>, vector<16xf32>,
            tpu.vector_store %arg6[%parallel_loop3A_117], %broadcast_in_dim3A_6 {strides = array<i32>} : memref<4096xf32, #tpu.memory_space<vmem>>, vector<16xf32>,
            %parallel_loop3A_119 = arith.constant 256 : i32
            %parallel_loop3A_120 = arith.addi %parallel_loop3A_119, %parallel_loop3A_114 : i32
            %parallel_loop3A_121 = arith.index_cast %parallel_loop3A_120 : i32 to index
            %parallel_loop3A_122 = tpu.vector_load %arg6[%parallel_loop3A_121] {strides = array<i32>} : memref<4096xf32, #tpu.memory_space<vmem>>, vector<16xf32>,
            %parallel_loop3A_123 = arith.addf %parallel_loop3A_116, %parallel_loop3A_122 : vector<16xf32>
            %parallel_loop3A_124 = arith.constant 256 : i32
            %parallel_loop3A_125 = arith.addi %parallel_loop3A_124, %parallel_loop3A_114 : i32
            %parallel_loop3A_126 = arith.index_cast %parallel_loop3A_125 : i32 to index
            %parallel_loop3A_127 = tpu.vector_load %arg6[%parallel_loop3A_126] {strides = array<i32>} : memref<4096xf32, #tpu.memory_space<vmem>>, vector<16xf32>,
            tpu.vector_store %arg6[%parallel_loop3A_126], %broadcast_in_dim3A_6 {strides = array<i32>} : memref<4096xf32, #tpu.memory_space<vmem>>, vector<16xf32>,
            %parallel_loop3A_128 = arith.constant 512 : i32
            %parallel_loop3A_129 = arith.addi %parallel_loop3A_128, %parallel_loop3A_114 : i32
            %parallel_loop3A_130 = arith.index_cast %parallel_loop3A_129 : i32 to index
            %parallel_loop3A_131 = tpu.vector_load %arg6[%parallel_loop3A_130] {strides = array<i32>} : memref<4096xf32, #tpu.memory_space<vmem>>, vector<16xf32>,
            %parallel_loop3A_132 = arith.addf %parallel_loop3A_123, %parallel_loop3A_131 : vector<16xf32>
            %parallel_loop3A_133 = arith.constant 512 : i32
            %parallel_loop3A_134 = arith.addi %parallel_loop3A_133, %parallel_loop3A_114 : i32
            %parallel_loop3A_135 = arith.index_cast %parallel_loop3A_134 : i32 to index
            %parallel_loop3A_136 = tpu.vector_load %arg6[%parallel_loop3A_135] {strides = array<i32>} : memref<4096xf32, #tpu.memory_space<vmem>>, vector<16xf32>,
            tpu.vector_store %arg6[%parallel_loop3A_135], %broadcast_in_dim3A_6 {strides = array<i32>} : memref<4096xf32, #tpu.memory_space<vmem>>, vector<16xf32>,
            %parallel_loop3A_137 = arith.constant 768 : i32
            %parallel_loop3A_138 = arith.addi %parallel_loop3A_137, %parallel_loop3A_114 : i32
            %parallel_loop3A_139 = arith.index_cast %parallel_loop3A_138 : i32 to index
            %parallel_loop3A_140 = tpu.vector_load %arg6[%parallel_loop3A_139] {strides = array<i32>} : memref<4096xf32, #tpu.memory_space<vmem>>, vector<16xf32>,
            %parallel_loop3A_141 = arith.addf %parallel_loop3A_132, %parallel_loop3A_140 : vector<16xf32>
            %parallel_loop3A_142 = arith.constant 768 : i32
            %parallel_loop3A_143 = arith.addi %parallel_loop3A_142, %parallel_loop3A_114 : i32
            %parallel_loop3A_144 = arith.index_cast %parallel_loop3A_143 : i32 to index
            %parallel_loop3A_145 = tpu.vector_load %arg6[%parallel_loop3A_144] {strides = array<i32>} : memref<4096xf32, #tpu.memory_space<vmem>>, vector<16xf32>,
            tpu.vector_store %arg6[%parallel_loop3A_144], %broadcast_in_dim3A_6 {strides = array<i32>} : memref<4096xf32, #tpu.memory_space<vmem>>, vector<16xf32>,
            %parallel_loop3A_146 = arith.constant 1024 : i32
            %parallel_loop3A_147 = arith.addi %parallel_loop3A_146, %parallel_loop3A_114 : i32
            %parallel_loop3A_148 = arith.index_cast %parallel_loop3A_147 : i32 to index
            %parallel_loop3A_149 = tpu.vector_load %arg6[%parallel_loop3A_148] {strides = array<i32>} : memref<4096xf32, #tpu.memory_space<vmem>>, vector<16xf32>,
            %parallel_loop3A_150 = arith.addf %parallel_loop3A_141, %parallel_loop3A_149 : vector<16xf32>
            %parallel_loop3A_151 = arith.constant 1024 : i32
            %parallel_loop3A_152 = arith.addi %parallel_loop3A_151, %parallel_loop3A_114 : i32
            %parallel_loop3A_153 = arith.index_cast %parallel_loop3A_152 : i32 to index
            %parallel_loop3A_154 = tpu.vector_load %arg6[%parallel_loop3A_153] {strides = array<i32>} : memref<4096xf32, #tpu.memory_space<vmem>>, vector<16xf32>,
            tpu.vector_store %arg6[%parallel_loop3A_153], %broadcast_in_dim3A_6 {strides = array<i32>} : memref<4096xf32, #tpu.memory_space<vmem>>, vector<16xf32>,
            %parallel_loop3A_155 = arith.constant 1280 : i32
            %parallel_loop3A_156 = arith.addi %parallel_loop3A_155, %parallel_loop3A_114 : i32
            %parallel_loop3A_157 = arith.index_cast %parallel_loop3A_156 : i32 to index
            %parallel_loop3A_158 = tpu.vector_load %arg6[%parallel_loop3A_157] {strides = array<i32>} : memref<4096xf32, #tpu.memory_space<vmem>>, vector<16xf32>,
            %parallel_loop3A_159 = arith.addf %parallel_loop3A_150, %parallel_loop3A_158 : vector<16xf32>
            %parallel_loop3A_160 = arith.constant 1280 : i32
            %parallel_loop3A_161 = arith.addi %parallel_loop3A_160, %parallel_loop3A_114 : i32
            %parallel_loop3A_162 = arith.index_cast %parallel_loop3A_161 : i32 to index
            %parallel_loop3A_163 = tpu.vector_load %arg6[%parallel_loop3A_162] {strides = array<i32>} : memref<4096xf32, #tpu.memory_space<vmem>>, vector<16xf32>,
            tpu.vector_store %arg6[%parallel_loop3A_162], %broadcast_in_dim3A_6 {strides = array<i32>} : memref<4096xf32, #tpu.memory_space<vmem>>, vector<16xf32>,
            %parallel_loop3A_164 = arith.constant 1536 : i32
            %parallel_loop3A_165 = arith.addi %parallel_loop3A_164, %parallel_loop3A_114 : i32
            %parallel_loop3A_166 = arith.index_cast %parallel_loop3A_165 : i32 to index
            %parallel_loop3A_167 = tpu.vector_load %arg6[%parallel_loop3A_166] {strides = array<i32>} : memref<4096xf32, #tpu.memory_space<vmem>>, vector<16xf32>,
            %parallel_loop3A_168 = arith.addf %parallel_loop3A_159, %parallel_loop3A_167 : vector<16xf32>
            %parallel_loop3A_169 = arith.constant 1536 : i32
            %parallel_loop3A_170 = arith.addi %parallel_loop3A_169, %parallel_loop3A_114 : i32
            %parallel_loop3A_171 = arith.index_cast %parallel_loop3A_170 : i32 to index
            %parallel_loop3A_172 = tpu.vector_load %arg6[%parallel_loop3A_171] {strides = array<i32>} : memref<4096xf32, #tpu.memory_space<vmem>>, vector<16xf32>,
            tpu.vector_store %arg6[%parallel_loop3A_171], %broadcast_in_dim3A_6 {strides = array<i32>} : memref<4096xf32, #tpu.memory_space<vmem>>, vector<16xf32>,
            %parallel_loop3A_173 = arith.constant 1792 : i32
            %parallel_loop3A_174 = arith.addi %parallel_loop3A_173, %parallel_loop3A_114 : i32
            %parallel_loop3A_175 = arith.index_cast %parallel_loop3A_174 : i32 to index
            %parallel_loop3A_176 = tpu.vector_load %arg6[%parallel_loop3A_175] {strides = array<i32>} : memref<4096xf32, #tpu.memory_space<vmem>>, vector<16xf32>,
            %parallel_loop3A_177 = arith.addf %parallel_loop3A_168, %parallel_loop3A_176 : vector<16xf32>
            %parallel_loop3A_178 = arith.constant 1792 : i32
            %parallel_loop3A_179 = arith.addi %parallel_loop3A_178, %parallel_loop3A_114 : i32
            %parallel_loop3A_180 = arith.index_cast %parallel_loop3A_179 : i32 to index
            %parallel_loop3A_181 = tpu.vector_load %arg6[%parallel_loop3A_180] {strides = array<i32>} : memref<4096xf32, #tpu.memory_space<vmem>>, vector<16xf32>,
            tpu.vector_store %arg6[%parallel_loop3A_180], %broadcast_in_dim3A_6 {strides = array<i32>} : memref<4096xf32, #tpu.memory_space<vmem>>, vector<16xf32>,
            %parallel_loop3A_182 = arith.constant 2048 : i32
            %parallel_loop3A_183 = arith.addi %parallel_loop3A_182, %parallel_loop3A_114 : i32
            %parallel_loop3A_184 = arith.index_cast %parallel_loop3A_183 : i32 to index
            %parallel_loop3A_185 = tpu.vector_load %arg6[%parallel_loop3A_184] {strides = array<i32>} : memref<4096xf32, #tpu.memory_space<vmem>>, vector<16xf32>,
            %parallel_loop3A_186 = arith.addf %parallel_loop3A_177, %parallel_loop3A_185 : vector<16xf32>
            %parallel_loop3A_187 = arith.constant 2048 : i32
            %parallel_loop3A_188 = arith.addi %parallel_loop3A_187, %parallel_loop3A_114 : i32
            %parallel_loop3A_189 = arith.index_cast %parallel_loop3A_188 : i32 to index
            %parallel_loop3A_190 = tpu.vector_load %arg6[%parallel_loop3A_189] {strides = array<i32>} : memref<4096xf32, #tpu.memory_space<vmem>>, vector<16xf32>,
            tpu.vector_store %arg6[%parallel_loop3A_189], %broadcast_in_dim3A_6 {strides = array<i32>} : memref<4096xf32, #tpu.memory_space<vmem>>, vector<16xf32>,
            %parallel_loop3A_191 = arith.constant 2304 : i32
            %parallel_loop3A_192 = arith.addi %parallel_loop3A_191, %parallel_loop3A_114 : i32
            %parallel_loop3A_193 = arith.index_cast %parallel_loop3A_192 : i32 to index
            %parallel_loop3A_194 = tpu.vector_load %arg6[%parallel_loop3A_193] {strides = array<i32>} : memref<4096xf32, #tpu.memory_space<vmem>>, vector<16xf32>,
            %parallel_loop3A_195 = arith.addf %parallel_loop3A_186, %parallel_loop3A_194 : vector<16xf32>
            %parallel_loop3A_196 = arith.constant 2304 : i32
            %parallel_loop3A_197 = arith.addi %parallel_loop3A_196, %parallel_loop3A_114 : i32
            %parallel_loop3A_198 = arith.index_cast %parallel_loop3A_197 : i32 to index
            %parallel_loop3A_199 = tpu.vector_load %arg6[%parallel_loop3A_198] {strides = array<i32>} : memref<4096xf32, #tpu.memory_space<vmem>>, vector<16xf32>,
            tpu.vector_store %arg6[%parallel_loop3A_198], %broadcast_in_dim3A_6 {strides = array<i32>} : memref<4096xf32, #tpu.memory_space<vmem>>, vector<16xf32>,
            %parallel_loop3A_200 = arith.constant 2560 : i32
            %parallel_loop3A_201 = arith.addi %parallel_loop3A_200, %parallel_loop3A_114 : i32
            %parallel_loop3A_202 = arith.index_cast %parallel_loop3A_201 : i32 to index
            %parallel_loop3A_203 = tpu.vector_load %arg6[%parallel_loop3A_202] {strides = array<i32>} : memref<4096xf32, #tpu.memory_space<vmem>>, vector<16xf32>,
            %parallel_loop3A_204 = arith.addf %parallel_loop3A_195, %parallel_loop3A_203 : vector<16xf32>
            %parallel_loop3A_205 = arith.constant 2560 : i32
            %parallel_loop3A_206 = arith.addi %parallel_loop3A_205, %parallel_loop3A_114 : i32
            %parallel_loop3A_207 = arith.index_cast %parallel_loop3A_206 : i32 to index
            %parallel_loop3A_208 = tpu.vector_load %arg6[%parallel_loop3A_207] {strides = array<i32>} : memref<4096xf32, #tpu.memory_space<vmem>>, vector<16xf32>,
            tpu.vector_store %arg6[%parallel_loop3A_207], %broadcast_in_dim3A_6 {strides = array<i32>} : memref<4096xf32, #tpu.memory_space<vmem>>, vector<16xf32>,
            %parallel_loop3A_209 = arith.constant 2816 : i32
            %parallel_loop3A_210 = arith.addi %parallel_loop3A_209, %parallel_loop3A_114 : i32
            %parallel_loop3A_211 = arith.index_cast %parallel_loop3A_210 : i32 to index
            %parallel_loop3A_212 = tpu.vector_load %arg6[%parallel_loop3A_211] {strides = array<i32>} : memref<4096xf32, #tpu.memory_space<vmem>>, vector<16xf32>,
            %parallel_loop3A_213 = arith.addf %parallel_loop3A_204, %parallel_loop3A_212 : vector<16xf32>
            %parallel_loop3A_214 = arith.constant 2816 : i32
            %parallel_loop3A_215 = arith.addi %parallel_loop3A_214, %parallel_loop3A_114 : i32
            %parallel_loop3A_216 = arith.index_cast %parallel_loop3A_215 : i32 to index
            %parallel_loop3A_217 = tpu.vector_load %arg6[%parallel_loop3A_216] {strides = array<i32>} : memref<4096xf32, #tpu.memory_space<vmem>>, vector<16xf32>,
            tpu.vector_store %arg6[%parallel_loop3A_216], %broadcast_in_dim3A_6 {strides = array<i32>} : memref<4096xf32, #tpu.memory_space<vmem>>, vector<16xf32>,
            %parallel_loop3A_218 = arith.constant 3072 : i32
            %parallel_loop3A_219 = arith.addi %parallel_loop3A_218, %parallel_loop3A_114 : i32
            %parallel_loop3A_220 = arith.index_cast %parallel_loop3A_219 : i32 to index
            %parallel_loop3A_221 = tpu.vector_load %arg6[%parallel_loop3A_220] {strides = array<i32>} : memref<4096xf32, #tpu.memory_space<vmem>>, vector<16xf32>,
            %parallel_loop3A_222 = arith.addf %parallel_loop3A_213, %parallel_loop3A_221 : vector<16xf32>
            %parallel_loop3A_223 = arith.constant 3072 : i32
            %parallel_loop3A_224 = arith.addi %parallel_loop3A_223, %parallel_loop3A_114 : i32
            %parallel_loop3A_225 = arith.index_cast %parallel_loop3A_224 : i32 to index
            %parallel_loop3A_226 = tpu.vector_load %arg6[%parallel_loop3A_225] {strides = array<i32>} : memref<4096xf32, #tpu.memory_space<vmem>>, vector<16xf32>,
            tpu.vector_store %arg6[%parallel_loop3A_225], %broadcast_in_dim3A_6 {strides = array<i32>} : memref<4096xf32, #tpu.memory_space<vmem>>, vector<16xf32>,
            %parallel_loop3A_227 = arith.constant 3328 : i32
            %parallel_loop3A_228 = arith.addi %parallel_loop3A_227, %parallel_loop3A_114 : i32
            %parallel_loop3A_229 = arith.index_cast %parallel_loop3A_228 : i32 to index
            %parallel_loop3A_230 = tpu.vector_load %arg6[%parallel_loop3A_229] {strides = array<i32>} : memref<4096xf32, #tpu.memory_space<vmem>>, vector<16xf32>,
            %parallel_loop3A_231 = arith.addf %parallel_loop3A_222, %parallel_loop3A_230 : vector<16xf32>
            %parallel_loop3A_232 = arith.constant 3328 : i32
            %parallel_loop3A_233 = arith.addi %parallel_loop3A_232, %parallel_loop3A_114 : i32
            %parallel_loop3A_234 = arith.index_cast %parallel_loop3A_233 : i32 to index
            %parallel_loop3A_235 = tpu.vector_load %arg6[%parallel_loop3A_234] {strides = array<i32>} : memref<4096xf32, #tpu.memory_space<vmem>>, vector<16xf32>,
            tpu.vector_store %arg6[%parallel_loop3A_234], %broadcast_in_dim3A_6 {strides = array<i32>} : memref<4096xf32, #tpu.memory_space<vmem>>, vector<16xf32>,
            %parallel_loop3A_236 = arith.constant 3584 : i32
            %parallel_loop3A_237 = arith.addi %parallel_loop3A_236, %parallel_loop3A_114 : i32
            %parallel_loop3A_238 = arith.index_cast %parallel_loop3A_237 : i32 to index
            %parallel_loop3A_239 = tpu.vector_load %arg6[%parallel_loop3A_238] {strides = array<i32>} : memref<4096xf32, #tpu.memory_space<vmem>>, vector<16xf32>,
            %parallel_loop3A_240 = arith.addf %parallel_loop3A_231, %parallel_loop3A_239 : vector<16xf32>
            %parallel_loop3A_241 = arith.constant 3584 : i32
            %parallel_loop3A_242 = arith.addi %parallel_loop3A_241, %parallel_loop3A_114 : i32
            %parallel_loop3A_243 = arith.index_cast %parallel_loop3A_242 : i32 to index
            %parallel_loop3A_244 = tpu.vector_load %arg6[%parallel_loop3A_243] {strides = array<i32>} : memref<4096xf32, #tpu.memory_space<vmem>>, vector<16xf32>,
            tpu.vector_store %arg6[%parallel_loop3A_243], %broadcast_in_dim3A_6 {strides = array<i32>} : memref<4096xf32, #tpu.memory_space<vmem>>, vector<16xf32>,
            %parallel_loop3A_245 = arith.constant 3840 : i32
            %parallel_loop3A_246 = arith.addi %parallel_loop3A_245, %parallel_loop3A_114 : i32
            %parallel_loop3A_247 = arith.index_cast %parallel_loop3A_246 : i32 to index
            %parallel_loop3A_248 = tpu.vector_load %arg6[%parallel_loop3A_247] {strides = array<i32>} : memref<4096xf32, #tpu.memory_space<vmem>>, vector<16xf32>,
            %parallel_loop3A_249 = arith.addf %parallel_loop3A_240, %parallel_loop3A_248 : vector<16xf32>
            %parallel_loop3A_250 = arith.constant 3840 : i32
            %parallel_loop3A_251 = arith.addi %parallel_loop3A_250, %parallel_loop3A_114 : i32
            %parallel_loop3A_252 = arith.index_cast %parallel_loop3A_251 : i32 to index
            %parallel_loop3A_253 = tpu.vector_load %arg6[%parallel_loop3A_252] {strides = array<i32>} : memref<4096xf32, #tpu.memory_space<vmem>>, vector<16xf32>,
            tpu.vector_store %arg6[%parallel_loop3A_252], %broadcast_in_dim3A_6 {strides = array<i32>} : memref<4096xf32, #tpu.memory_space<vmem>>, vector<16xf32>,
            %parallel_loop3A_254 = arith.index_cast %add3A_96 : i32 to index
            %parallel_loop3A_255 = arith.index_cast %parallel_loop3A_114 : i32 to index
            %parallel_loop3A_256 = tpu.vector_load %arg7[%parallel_loop3A_254, %parallel_loop3A_255] {strides = array<i32>} : memref<16x256xf32, #tpu.memory_space<vmem>>, vector<16xf32>,
            tpu.vector_store %arg7[%parallel_loop3A_254, %parallel_loop3A_255], %parallel_loop3A_249 {strides = array<i32>} : memref<16x256xf32, #tpu.memory_space<vmem>>, vector<16xf32>,
          } {sc.loop_unroll_factor = 2 : i64, sc.parallel_access}
          %mul3A_103 = arith.constant 4 : i32
          %mul3A_104 = arith.muli %mul3A_103, %scan3A_41 : i32
          %add3A_105 = arith.constant 3 : i32
          %add3A_106 = arith.addi %mul3A_104, %add3A_105 : i32
          %parallel_loop3A_107 = arith.constant 0 : i32
          %parallel_loop3A_108 = arith.constant 16384 : i32
          %parallel_loop3A_109 = arith.constant 16 : i32
          scf.for %parallel_loop3A_114 = %parallel_loop3A_107 to %parallel_loop3A_108 step %parallel_loop3A_109  : i32 {
            %parallel_loop3A_115 = arith.constant 1 : i32
            %parallel_loop3A_116 = arith.index_cast %parallel_loop3A_115 : i32 to index
            %parallel_loop3A_117 = arith.index_cast %parallel_loop3A_114 : i32 to index
            %parallel_loop3A_118 = tpu.vector_load %arg5[%parallel_loop3A_116, %parallel_loop3A_117] {strides = array<i32>} : memref<2x16384xf32, #tpu.memory_space<vmem>>, vector<16xf32>,
            %parallel_loop3A_119 = arith.constant 4.000000e+00 : f32
            %parallel_loop3A_120 = vector.broadcast %parallel_loop3A_119 : f32 to vector<16xf32>
            %parallel_loop3A_121 = arith.addf %parallel_loop3A_118, %parallel_loop3A_120 : vector<16xf32>
            %parallel_loop3A_122 = arith.constant 3.200000e+01 : f32
            %parallel_loop3A_123 = vector.broadcast %parallel_loop3A_122 : f32 to vector<16xf32>
            %parallel_loop3A_124 = arith.mulf %parallel_loop3A_121, %parallel_loop3A_123 : vector<16xf32>
            %parallel_loop3A_125 = arith.constant 0.000000e+00 : f32
            %parallel_loop3A_126 = vector.broadcast %parallel_loop3A_125 : f32 to vector<16xf32>
            %parallel_loop3A_127 = arith.maximumf %parallel_loop3A_124, %parallel_loop3A_126 : vector<16xf32>
            %parallel_loop3A_128 = arith.constant 2.550000e+02 : f32
            %parallel_loop3A_129 = vector.broadcast %parallel_loop3A_128 : f32 to vector<16xf32>
            %parallel_loop3A_130 = arith.minimumf %parallel_loop3A_127, %parallel_loop3A_129 : vector<16xf32>
            %parallel_loop3A_131 = arith.fptosi %parallel_loop3A_130 : vector<16xf32> to vector<16xi32>
            %parallel_loop3A_132 = arith.addi %parallel_loop3A_131, %mul3A_5 : vector<16xi32>
            tpu.vector_store_idx %arg6[%parallel_loop3A_132], %broadcast_in_dim3A_8 masked %broadcast_in_dim3A_10 {add = true} : memref<4096xf32, #tpu.memory_space<vmem>>[vector<16xi32>], vector<16xf32>, vector<16xi1>
          } {sc.loop_unroll_factor = 8 : i64, sc.parallel_access}
          %parallel_loop3A_110 = arith.constant 0 : i32
          %parallel_loop3A_111 = arith.constant 256 : i32
          %parallel_loop3A_112 = arith.constant 16 : i32
          scf.for %parallel_loop3A_114 = %parallel_loop3A_110 to %parallel_loop3A_111 step %parallel_loop3A_112  : i32 {
            %parallel_loop3A_115 = arith.index_cast %parallel_loop3A_114 : i32 to index
            %parallel_loop3A_116 = tpu.vector_load %arg6[%parallel_loop3A_115] {strides = array<i32>} : memref<4096xf32, #tpu.memory_space<vmem>>, vector<16xf32>,
            %parallel_loop3A_117 = arith.index_cast %parallel_loop3A_114 : i32 to index
            %parallel_loop3A_118 = tpu.vector_load %arg6[%parallel_loop3A_117] {strides = array<i32>} : memref<4096xf32, #tpu.memory_space<vmem>>, vector<16xf32>,
            tpu.vector_store %arg6[%parallel_loop3A_117], %broadcast_in_dim3A_6 {strides = array<i32>} : memref<4096xf32, #tpu.memory_space<vmem>>, vector<16xf32>,
            %parallel_loop3A_119 = arith.constant 256 : i32
            %parallel_loop3A_120 = arith.addi %parallel_loop3A_119, %parallel_loop3A_114 : i32
            %parallel_loop3A_121 = arith.index_cast %parallel_loop3A_120 : i32 to index
            %parallel_loop3A_122 = tpu.vector_load %arg6[%parallel_loop3A_121] {strides = array<i32>} : memref<4096xf32, #tpu.memory_space<vmem>>, vector<16xf32>,
            %parallel_loop3A_123 = arith.addf %parallel_loop3A_116, %parallel_loop3A_122 : vector<16xf32>
            %parallel_loop3A_124 = arith.constant 256 : i32
            %parallel_loop3A_125 = arith.addi %parallel_loop3A_124, %parallel_loop3A_114 : i32
            %parallel_loop3A_126 = arith.index_cast %parallel_loop3A_125 : i32 to index
            %parallel_loop3A_127 = tpu.vector_load %arg6[%parallel_loop3A_126] {strides = array<i32>} : memref<4096xf32, #tpu.memory_space<vmem>>, vector<16xf32>,
            tpu.vector_store %arg6[%parallel_loop3A_126], %broadcast_in_dim3A_6 {strides = array<i32>} : memref<4096xf32, #tpu.memory_space<vmem>>, vector<16xf32>,
            %parallel_loop3A_128 = arith.constant 512 : i32
            %parallel_loop3A_129 = arith.addi %parallel_loop3A_128, %parallel_loop3A_114 : i32
            %parallel_loop3A_130 = arith.index_cast %parallel_loop3A_129 : i32 to index
            %parallel_loop3A_131 = tpu.vector_load %arg6[%parallel_loop3A_130] {strides = array<i32>} : memref<4096xf32, #tpu.memory_space<vmem>>, vector<16xf32>,
            %parallel_loop3A_132 = arith.addf %parallel_loop3A_123, %parallel_loop3A_131 : vector<16xf32>
            %parallel_loop3A_133 = arith.constant 512 : i32
            %parallel_loop3A_134 = arith.addi %parallel_loop3A_133, %parallel_loop3A_114 : i32
            %parallel_loop3A_135 = arith.index_cast %parallel_loop3A_134 : i32 to index
            %parallel_loop3A_136 = tpu.vector_load %arg6[%parallel_loop3A_135] {strides = array<i32>} : memref<4096xf32, #tpu.memory_space<vmem>>, vector<16xf32>,
            tpu.vector_store %arg6[%parallel_loop3A_135], %broadcast_in_dim3A_6 {strides = array<i32>} : memref<4096xf32, #tpu.memory_space<vmem>>, vector<16xf32>,
            %parallel_loop3A_137 = arith.constant 768 : i32
            %parallel_loop3A_138 = arith.addi %parallel_loop3A_137, %parallel_loop3A_114 : i32
            %parallel_loop3A_139 = arith.index_cast %parallel_loop3A_138 : i32 to index
            %parallel_loop3A_140 = tpu.vector_load %arg6[%parallel_loop3A_139] {strides = array<i32>} : memref<4096xf32, #tpu.memory_space<vmem>>, vector<16xf32>,
            %parallel_loop3A_141 = arith.addf %parallel_loop3A_132, %parallel_loop3A_140 : vector<16xf32>
            %parallel_loop3A_142 = arith.constant 768 : i32
            %parallel_loop3A_143 = arith.addi %parallel_loop3A_142, %parallel_loop3A_114 : i32
            %parallel_loop3A_144 = arith.index_cast %parallel_loop3A_143 : i32 to index
            %parallel_loop3A_145 = tpu.vector_load %arg6[%parallel_loop3A_144] {strides = array<i32>} : memref<4096xf32, #tpu.memory_space<vmem>>, vector<16xf32>,
            tpu.vector_store %arg6[%parallel_loop3A_144], %broadcast_in_dim3A_6 {strides = array<i32>} : memref<4096xf32, #tpu.memory_space<vmem>>, vector<16xf32>,
            %parallel_loop3A_146 = arith.constant 1024 : i32
            %parallel_loop3A_147 = arith.addi %parallel_loop3A_146, %parallel_loop3A_114 : i32
            %parallel_loop3A_148 = arith.index_cast %parallel_loop3A_147 : i32 to index
            %parallel_loop3A_149 = tpu.vector_load %arg6[%parallel_loop3A_148] {strides = array<i32>} : memref<4096xf32, #tpu.memory_space<vmem>>, vector<16xf32>,
            %parallel_loop3A_150 = arith.addf %parallel_loop3A_141, %parallel_loop3A_149 : vector<16xf32>
            %parallel_loop3A_151 = arith.constant 1024 : i32
            %parallel_loop3A_152 = arith.addi %parallel_loop3A_151, %parallel_loop3A_114 : i32
            %parallel_loop3A_153 = arith.index_cast %parallel_loop3A_152 : i32 to index
            %parallel_loop3A_154 = tpu.vector_load %arg6[%parallel_loop3A_153] {strides = array<i32>} : memref<4096xf32, #tpu.memory_space<vmem>>, vector<16xf32>,
            tpu.vector_store %arg6[%parallel_loop3A_153], %broadcast_in_dim3A_6 {strides = array<i32>} : memref<4096xf32, #tpu.memory_space<vmem>>, vector<16xf32>,
            %parallel_loop3A_155 = arith.constant 1280 : i32
            %parallel_loop3A_156 = arith.addi %parallel_loop3A_155, %parallel_loop3A_114 : i32
            %parallel_loop3A_157 = arith.index_cast %parallel_loop3A_156 : i32 to index
            %parallel_loop3A_158 = tpu.vector_load %arg6[%parallel_loop3A_157] {strides = array<i32>} : memref<4096xf32, #tpu.memory_space<vmem>>, vector<16xf32>,
            %parallel_loop3A_159 = arith.addf %parallel_loop3A_150, %parallel_loop3A_158 : vector<16xf32>
            %parallel_loop3A_160 = arith.constant 1280 : i32
            %parallel_loop3A_161 = arith.addi %parallel_loop3A_160, %parallel_loop3A_114 : i32
            %parallel_loop3A_162 = arith.index_cast %parallel_loop3A_161 : i32 to index
            %parallel_loop3A_163 = tpu.vector_load %arg6[%parallel_loop3A_162] {strides = array<i32>} : memref<4096xf32, #tpu.memory_space<vmem>>, vector<16xf32>,
            tpu.vector_store %arg6[%parallel_loop3A_162], %broadcast_in_dim3A_6 {strides = array<i32>} : memref<4096xf32, #tpu.memory_space<vmem>>, vector<16xf32>,
            %parallel_loop3A_164 = arith.constant 1536 : i32
            %parallel_loop3A_165 = arith.addi %parallel_loop3A_164, %parallel_loop3A_114 : i32
            %parallel_loop3A_166 = arith.index_cast %parallel_loop3A_165 : i32 to index
            %parallel_loop3A_167 = tpu.vector_load %arg6[%parallel_loop3A_166] {strides = array<i32>} : memref<4096xf32, #tpu.memory_space<vmem>>, vector<16xf32>,
            %parallel_loop3A_168 = arith.addf %parallel_loop3A_159, %parallel_loop3A_167 : vector<16xf32>
            %parallel_loop3A_169 = arith.constant 1536 : i32
            %parallel_loop3A_170 = arith.addi %parallel_loop3A_169, %parallel_loop3A_114 : i32
            %parallel_loop3A_171 = arith.index_cast %parallel_loop3A_170 : i32 to index
            %parallel_loop3A_172 = tpu.vector_load %arg6[%parallel_loop3A_171] {strides = array<i32>} : memref<4096xf32, #tpu.memory_space<vmem>>, vector<16xf32>,
            tpu.vector_store %arg6[%parallel_loop3A_171], %broadcast_in_dim3A_6 {strides = array<i32>} : memref<4096xf32, #tpu.memory_space<vmem>>, vector<16xf32>,
            %parallel_loop3A_173 = arith.constant 1792 : i32
            %parallel_loop3A_174 = arith.addi %parallel_loop3A_173, %parallel_loop3A_114 : i32
            %parallel_loop3A_175 = arith.index_cast %parallel_loop3A_174 : i32 to index
            %parallel_loop3A_176 = tpu.vector_load %arg6[%parallel_loop3A_175] {strides = array<i32>} : memref<4096xf32, #tpu.memory_space<vmem>>, vector<16xf32>,
            %parallel_loop3A_177 = arith.addf %parallel_loop3A_168, %parallel_loop3A_176 : vector<16xf32>
            %parallel_loop3A_178 = arith.constant 1792 : i32
            %parallel_loop3A_179 = arith.addi %parallel_loop3A_178, %parallel_loop3A_114 : i32
            %parallel_loop3A_180 = arith.index_cast %parallel_loop3A_179 : i32 to index
            %parallel_loop3A_181 = tpu.vector_load %arg6[%parallel_loop3A_180] {strides = array<i32>} : memref<4096xf32, #tpu.memory_space<vmem>>, vector<16xf32>,
            tpu.vector_store %arg6[%parallel_loop3A_180], %broadcast_in_dim3A_6 {strides = array<i32>} : memref<4096xf32, #tpu.memory_space<vmem>>, vector<16xf32>,
            %parallel_loop3A_182 = arith.constant 2048 : i32
            %parallel_loop3A_183 = arith.addi %parallel_loop3A_182, %parallel_loop3A_114 : i32
            %parallel_loop3A_184 = arith.index_cast %parallel_loop3A_183 : i32 to index
            %parallel_loop3A_185 = tpu.vector_load %arg6[%parallel_loop3A_184] {strides = array<i32>} : memref<4096xf32, #tpu.memory_space<vmem>>, vector<16xf32>,
            %parallel_loop3A_186 = arith.addf %parallel_loop3A_177, %parallel_loop3A_185 : vector<16xf32>
            %parallel_loop3A_187 = arith.constant 2048 : i32
            %parallel_loop3A_188 = arith.addi %parallel_loop3A_187, %parallel_loop3A_114 : i32
            %parallel_loop3A_189 = arith.index_cast %parallel_loop3A_188 : i32 to index
            %parallel_loop3A_190 = tpu.vector_load %arg6[%parallel_loop3A_189] {strides = array<i32>} : memref<4096xf32, #tpu.memory_space<vmem>>, vector<16xf32>,
            tpu.vector_store %arg6[%parallel_loop3A_189], %broadcast_in_dim3A_6 {strides = array<i32>} : memref<4096xf32, #tpu.memory_space<vmem>>, vector<16xf32>,
            %parallel_loop3A_191 = arith.constant 2304 : i32
            %parallel_loop3A_192 = arith.addi %parallel_loop3A_191, %parallel_loop3A_114 : i32
            %parallel_loop3A_193 = arith.index_cast %parallel_loop3A_192 : i32 to index
            %parallel_loop3A_194 = tpu.vector_load %arg6[%parallel_loop3A_193] {strides = array<i32>} : memref<4096xf32, #tpu.memory_space<vmem>>, vector<16xf32>,
            %parallel_loop3A_195 = arith.addf %parallel_loop3A_186, %parallel_loop3A_194 : vector<16xf32>
            %parallel_loop3A_196 = arith.constant 2304 : i32
            %parallel_loop3A_197 = arith.addi %parallel_loop3A_196, %parallel_loop3A_114 : i32
            %parallel_loop3A_198 = arith.index_cast %parallel_loop3A_197 : i32 to index
            %parallel_loop3A_199 = tpu.vector_load %arg6[%parallel_loop3A_198] {strides = array<i32>} : memref<4096xf32, #tpu.memory_space<vmem>>, vector<16xf32>,
            tpu.vector_store %arg6[%parallel_loop3A_198], %broadcast_in_dim3A_6 {strides = array<i32>} : memref<4096xf32, #tpu.memory_space<vmem>>, vector<16xf32>,
            %parallel_loop3A_200 = arith.constant 2560 : i32
            %parallel_loop3A_201 = arith.addi %parallel_loop3A_200, %parallel_loop3A_114 : i32
            %parallel_loop3A_202 = arith.index_cast %parallel_loop3A_201 : i32 to index
            %parallel_loop3A_203 = tpu.vector_load %arg6[%parallel_loop3A_202] {strides = array<i32>} : memref<4096xf32, #tpu.memory_space<vmem>>, vector<16xf32>,
            %parallel_loop3A_204 = arith.addf %parallel_loop3A_195, %parallel_loop3A_203 : vector<16xf32>
            %parallel_loop3A_205 = arith.constant 2560 : i32
            %parallel_loop3A_206 = arith.addi %parallel_loop3A_205, %parallel_loop3A_114 : i32
            %parallel_loop3A_207 = arith.index_cast %parallel_loop3A_206 : i32 to index
            %parallel_loop3A_208 = tpu.vector_load %arg6[%parallel_loop3A_207] {strides = array<i32>} : memref<4096xf32, #tpu.memory_space<vmem>>, vector<16xf32>,
            tpu.vector_store %arg6[%parallel_loop3A_207], %broadcast_in_dim3A_6 {strides = array<i32>} : memref<4096xf32, #tpu.memory_space<vmem>>, vector<16xf32>,
            %parallel_loop3A_209 = arith.constant 2816 : i32
            %parallel_loop3A_210 = arith.addi %parallel_loop3A_209, %parallel_loop3A_114 : i32
            %parallel_loop3A_211 = arith.index_cast %parallel_loop3A_210 : i32 to index
            %parallel_loop3A_212 = tpu.vector_load %arg6[%parallel_loop3A_211] {strides = array<i32>} : memref<4096xf32, #tpu.memory_space<vmem>>, vector<16xf32>,
            %parallel_loop3A_213 = arith.addf %parallel_loop3A_204, %parallel_loop3A_212 : vector<16xf32>
            %parallel_loop3A_214 = arith.constant 2816 : i32
            %parallel_loop3A_215 = arith.addi %parallel_loop3A_214, %parallel_loop3A_114 : i32
            %parallel_loop3A_216 = arith.index_cast %parallel_loop3A_215 : i32 to index
            %parallel_loop3A_217 = tpu.vector_load %arg6[%parallel_loop3A_216] {strides = array<i32>} : memref<4096xf32, #tpu.memory_space<vmem>>, vector<16xf32>,
            tpu.vector_store %arg6[%parallel_loop3A_216], %broadcast_in_dim3A_6 {strides = array<i32>} : memref<4096xf32, #tpu.memory_space<vmem>>, vector<16xf32>,
            %parallel_loop3A_218 = arith.constant 3072 : i32
            %parallel_loop3A_219 = arith.addi %parallel_loop3A_218, %parallel_loop3A_114 : i32
            %parallel_loop3A_220 = arith.index_cast %parallel_loop3A_219 : i32 to index
            %parallel_loop3A_221 = tpu.vector_load %arg6[%parallel_loop3A_220] {strides = array<i32>} : memref<4096xf32, #tpu.memory_space<vmem>>, vector<16xf32>,
            %parallel_loop3A_222 = arith.addf %parallel_loop3A_213, %parallel_loop3A_221 : vector<16xf32>
            %parallel_loop3A_223 = arith.constant 3072 : i32
            %parallel_loop3A_224 = arith.addi %parallel_loop3A_223, %parallel_loop3A_114 : i32
            %parallel_loop3A_225 = arith.index_cast %parallel_loop3A_224 : i32 to index
            %parallel_loop3A_226 = tpu.vector_load %arg6[%parallel_loop3A_225] {strides = array<i32>} : memref<4096xf32, #tpu.memory_space<vmem>>, vector<16xf32>,
            tpu.vector_store %arg6[%parallel_loop3A_225], %broadcast_in_dim3A_6 {strides = array<i32>} : memref<4096xf32, #tpu.memory_space<vmem>>, vector<16xf32>,
            %parallel_loop3A_227 = arith.constant 3328 : i32
            %parallel_loop3A_228 = arith.addi %parallel_loop3A_227, %parallel_loop3A_114 : i32
            %parallel_loop3A_229 = arith.index_cast %parallel_loop3A_228 : i32 to index
            %parallel_loop3A_230 = tpu.vector_load %arg6[%parallel_loop3A_229] {strides = array<i32>} : memref<4096xf32, #tpu.memory_space<vmem>>, vector<16xf32>,
            %parallel_loop3A_231 = arith.addf %parallel_loop3A_222, %parallel_loop3A_230 : vector<16xf32>
            %parallel_loop3A_232 = arith.constant 3328 : i32
            %parallel_loop3A_233 = arith.addi %parallel_loop3A_232, %parallel_loop3A_114 : i32
            %parallel_loop3A_234 = arith.index_cast %parallel_loop3A_233 : i32 to index
            %parallel_loop3A_235 = tpu.vector_load %arg6[%parallel_loop3A_234] {strides = array<i32>} : memref<4096xf32, #tpu.memory_space<vmem>>, vector<16xf32>,
            tpu.vector_store %arg6[%parallel_loop3A_234], %broadcast_in_dim3A_6 {strides = array<i32>} : memref<4096xf32, #tpu.memory_space<vmem>>, vector<16xf32>,
            %parallel_loop3A_236 = arith.constant 3584 : i32
            %parallel_loop3A_237 = arith.addi %parallel_loop3A_236, %parallel_loop3A_114 : i32
            %parallel_loop3A_238 = arith.index_cast %parallel_loop3A_237 : i32 to index
            %parallel_loop3A_239 = tpu.vector_load %arg6[%parallel_loop3A_238] {strides = array<i32>} : memref<4096xf32, #tpu.memory_space<vmem>>, vector<16xf32>,
            %parallel_loop3A_240 = arith.addf %parallel_loop3A_231, %parallel_loop3A_239 : vector<16xf32>
            %parallel_loop3A_241 = arith.constant 3584 : i32
            %parallel_loop3A_242 = arith.addi %parallel_loop3A_241, %parallel_loop3A_114 : i32
            %parallel_loop3A_243 = arith.index_cast %parallel_loop3A_242 : i32 to index
            %parallel_loop3A_244 = tpu.vector_load %arg6[%parallel_loop3A_243] {strides = array<i32>} : memref<4096xf32, #tpu.memory_space<vmem>>, vector<16xf32>,
            tpu.vector_store %arg6[%parallel_loop3A_243], %broadcast_in_dim3A_6 {strides = array<i32>} : memref<4096xf32, #tpu.memory_space<vmem>>, vector<16xf32>,
            %parallel_loop3A_245 = arith.constant 3840 : i32
            %parallel_loop3A_246 = arith.addi %parallel_loop3A_245, %parallel_loop3A_114 : i32
            %parallel_loop3A_247 = arith.index_cast %parallel_loop3A_246 : i32 to index
            %parallel_loop3A_248 = tpu.vector_load %arg6[%parallel_loop3A_247] {strides = array<i32>} : memref<4096xf32, #tpu.memory_space<vmem>>, vector<16xf32>,
            %parallel_loop3A_249 = arith.addf %parallel_loop3A_240, %parallel_loop3A_248 : vector<16xf32>
            %parallel_loop3A_250 = arith.constant 3840 : i32
            %parallel_loop3A_251 = arith.addi %parallel_loop3A_250, %parallel_loop3A_114 : i32
            %parallel_loop3A_252 = arith.index_cast %parallel_loop3A_251 : i32 to index
            %parallel_loop3A_253 = tpu.vector_load %arg6[%parallel_loop3A_252] {strides = array<i32>} : memref<4096xf32, #tpu.memory_space<vmem>>, vector<16xf32>,
            tpu.vector_store %arg6[%parallel_loop3A_252], %broadcast_in_dim3A_6 {strides = array<i32>} : memref<4096xf32, #tpu.memory_space<vmem>>, vector<16xf32>,
            %parallel_loop3A_254 = arith.index_cast %add3A_106 : i32 to index
            %parallel_loop3A_255 = arith.index_cast %parallel_loop3A_114 : i32 to index
            %parallel_loop3A_256 = tpu.vector_load %arg7[%parallel_loop3A_254, %parallel_loop3A_255] {strides = array<i32>} : memref<16x256xf32, #tpu.memory_space<vmem>>, vector<16xf32>,
            tpu.vector_store %arg7[%parallel_loop3A_254, %parallel_loop3A_255], %parallel_loop3A_249 {strides = array<i32>} : memref<16x256xf32, #tpu.memory_space<vmem>>, vector<16xf32>,
          } {sc.loop_unroll_factor = 2 : i64, sc.parallel_access}
          %scan3A_113 = arith.constant 0 : i32
          scf.yield %scan3A_113 : i32
        }
        %scan3A_36 = arith.constant 4 : i32
        %mul3A_37 = arith.constant 16 : i32
        %mul3A_38 = arith.muli %scan3A_28, %mul3A_37 : i32
        %add3A_39 = arith.addi %mul3A_2, %mul3A_38 : i32
        "tpu.region"() ({
          %run_scoped3A_41 = tpu.sem_alloc : memref<!tpu.dma_semaphore, #tpu.memory_space<semaphore_mem>>
          %dma_start3A_42 = arith.constant 0 : i32
          %dma_start3A_43 = tpu.memref_slice %arg3[%add3A_39, %dma_start3A_42] : memref<4096x256xf32, #tpu.memory_space<hbm>> -> memref<16x256xf32, #tpu.memory_space<hbm>>
          %dma_start3A_44 = arith.constant 0 : i32
          %dma_start3A_45 = tpu.memref_slice %arg3[%add3A_39, %dma_start3A_44] : memref<4096x256xf32, #tpu.memory_space<hbm>> -> memref<16x256xf32, #tpu.memory_space<hbm>>
          tpu.enqueue_dma source(%arg7 : memref<16x256xf32, #tpu.memory_space<vmem>>) target(%dma_start3A_45 : memref<16x256xf32, #tpu.memory_space<hbm>>) target_semaphore(%run_scoped3A_41 : memref<!tpu.dma_semaphore, #tpu.memory_space<semaphore_mem>>)
          %dma_wait3A_46 = arith.constant 0 : i32
          %dma_wait3A_47 = tpu.memref_slice %arg3[%add3A_39, %dma_wait3A_46] : memref<4096x256xf32, #tpu.memory_space<hbm>> -> memref<16x256xf32, #tpu.memory_space<hbm>>
          %dma_wait3A_48 = arith.constant 0 : i32
          %dma_wait3A_49 = tpu.memref_slice %arg3[%add3A_39, %dma_wait3A_48] : memref<4096x256xf32, #tpu.memory_space<hbm>> -> memref<16x256xf32, #tpu.memory_space<hbm>>
          tpu.wait_dma2 semaphore(%run_scoped3A_41 : memref<!tpu.dma_semaphore, #tpu.memory_space<semaphore_mem>>) src(%arg7 : memref<16x256xf32, #tpu.memory_space<vmem>>) dst(%dma_wait3A_49 : memref<16x256xf32, #tpu.memory_space<hbm>>)
          tpu.yield
        }) : () -> ()
        %scan3A_40 = arith.constant 0 : i32
        scf.yield %scan3A_40 : i32
      }
      %scan3A_24 = arith.constant 8 : i32
      %dma_wait3A = arith.constant 0 : i32
      %dma_wait3A_25 = tpu.memref_slice %arg2[%mul3A_2, %dma_wait3A] : memref<4096x16384xf32, #tpu.memory_space<hbm>> -> memref<2x16384xf32, #tpu.memory_space<hbm>>
      %dma_wait3A_26 = arith.constant 0 : i32
      %dma_wait3A_27 = tpu.memref_slice %arg2[%mul3A_2, %dma_wait3A_26] : memref<4096x16384xf32, #tpu.memory_space<hbm>> -> memref<2x16384xf32, #tpu.memory_space<hbm>>
      tpu.wait_dma2 semaphore(%run_scoped3A : memref<!tpu.dma_semaphore, #tpu.memory_space<semaphore_mem>>) src(%dma_wait3A_27 : memref<2x16384xf32, #tpu.memory_space<hbm>>) dst(%arg4 : memref<2x16384xf32, #tpu.memory_space<vmem>>)
      tpu.yield
    }) : () -> ()
    return
  }
}

</mosaic_0001>

<sc_bundles>
// kernel: _hist.3.cloned.1.call-start
scs
__scs_entry_jumppad:
0x0: {  	(pc) =	sbr.rel $0x88, $3  }
0x1: {  	(tag) =	ssettag $0x0;
	lr =	simm.s32 $0x1  }
0x2: {  	[smem:$0x3FA0] =	sst lr;
	_ =	strace $0xD0000000  }
0x3: {  	_ = 	snop  }
0x4: {  	_ = 	snop  }
0x5: {  	_ = 	snop  }
0x6: {  	_ = 	snop  }
0x7: {  	_ = 	snop  }
__scs_overlays_trampoline_lowered:
0x8: {  	[smem:$0x3FAF] =	sst s0  }
0x9: {  	[smem:$0x3FB0] =	sst s1  }
0xa: {  	[smem:$0x3FB1] =	sst s2  }
0xb: {  	[smem:$0x3FB2] =	sst s3  }
0xc: {  	[smem:$0x3FB3] =	sst s4  }
0xd: {  	[smem:$0x3FB4] =	sst s5  }
0xe: {  	[smem:$0x3FB5] =	sst s6  }
0xf: {  	[smem:$0x3FB6] =	sst s7  }
0x10: {  	[smem:$0x3FB7] =	sst s8  }
0x11: {  	[smem:$0x3FB8] =	sst s9;
	s0 =	simm.s32 @!p0 $0x0  }
0x12: {  	s1 =	sld [smem:$0x3F9E];
	s0 =	simm.s32 @p0 $0x1  }
0x13: {  	[smem:$0x3FB9] =	sst s0;
	s0 =	simm.s32 @!p1 $0x0  }
0x14: {  	s2 =	sld [smem:$0x3F9D];
	s0 =	simm.s32 @p1 $0x1  }
0x15: {  	[smem:$0x3FBA] =	sst s0;
	s0 =	simm.s32 @!p2 $0x0  }
0x16: {  	s3 =	sld [smem:$0x3FDB];
	s0 =	simm.s32 @p2 $0x1  }
0x17: {  	s4 =	simm.s32 $0x1BF5;
	[smem:$0x3FBC] =	sst s0  }
0x18: {  	s0 =	sld [smem:$0x3F9F];
	_ =	swait.ge [sflag:s4], $0x0  }
0x19: {  	s7 =	sld [smem:$0x3FA0]  }
0x1a: {  	s8 =	sadd.s32 $0xFFFFE003, lr  }
0x1b: {  	s9 =	sadd.s32 $0xFFFFFEF7, lr;
	s5 =	simm.s32 $0xFFFFFFFF;
	p2 =	slt.u32 s8, $0xFFFFF086  }
0x1c: {  	p1 =	slt.u32 s9, $0xF7A;
	s5 =	simm.s32 @!p2 $0x0  }
0x1d: {  	s5 =	simm.s32 @p1 $0x1;
	p0 =	seq.s32 s7, s2  }
0x1e: {  	s7 =	smul.u32 @!p0 $0xF7A, s2;
	p2 =	seq.s32 @!p0 s5, $0x0  }
0x1f: {  	s9 =	smul.u32 $0xF7A, s1;
	s8 =	simm.s32 @!p0 $0x1BF5;
	p2 =	por !p2, p0  }
0x20: {  	[sflag:s8] =	ssyncset.s32 @!p0 $0xFFFFF086;
	s6 =	sadd.s32 @!p0 s3, s7;
	s7 =	simm.s32 @!p0 $0x108  }
0x21: {  	s3 =	sadd.s32 s3, s9;
	s6 =	sadd.s32 @!p0 $0x88, s6;
	s7 =	simm.s32 @p2 $0x1082  }
0x22: {  	[simem:s7], [sflag:s8] =	dma.local @!p0 [hbm:s6], $0xF7A  }
0x23: {  	s9 =	sor.u32 $0xD0000000, s2;
	s6 =	simm.s32 $0x108;
	_ =	swait.ge @!p0 [sflag:s8], $0x0  }
0x24: {  	s3 =	sadd.s32 $0x88, s3;
	s6 =	simm.s32 @!p1 $0x1082;
	[sflag:s4] =	ssyncset.s32 $0xFFFFF086  }
0x25: {  	[simem:s6], [sflag:s4] =	dma.local [hbm:s3], $0xF7A  }
0x26: {  	[smem:$0x3FA0] =	sst s1;
	(tag) =	ssettag s2;
	_ =	strace s9  }
0x27: {  	s1 =	sld [smem:$0x3FB0]  }
0x28: {  	s2 =	sld [smem:$0x3FB1]  }
0x29: {  	s4 =	sld [smem:$0x3FB3]  }
0x2a: {  	p0 =	seq.s32 s5, $0x0;
	s5 =	sld [smem:$0x3FB4]  }
0x2b: {  	s6 =	sld [smem:$0x3FB5]  }
0x2c: {  	s7 =	sld [smem:$0x3FB6]  }
0x2d: {  	s3 =	simm.s32 $0x108;
	s8 =	sld [smem:$0x3FB7]  }
0x2e: {  	s3 =	simm.s32 @!p0 $0x1082;
	s9 =	sld [smem:$0x3FB8]  }
0x2f: {  	lr =	sadd.s32 s0, s3;
	s0 =	sld [smem:$0x3FAF]  }
0x30: {  	s3 =	sld [smem:$0x3FB2]  }
0x31: {  	[smem:$0x3FBB] =	sst s10  }
0x32: {  	s10 =	sld [smem:$0x3FB9];
	_ =	sdelay $0x3  }
0x33: {  	p0 =	seq.s32 s10, $0x1;
	s10 =	sld [smem:$0x3FBB];
	_ =	sdelay $0x3  }
0x34: {  	[smem:$0x3FBB] =	sst s10  }
0x35: {  	s10 =	sld [smem:$0x3FBA];
	_ =	sdelay $0x3  }
0x36: {  	p1 =	seq.s32 s10, $0x1;
	s10 =	sld [smem:$0x3FBB];
	_ =	sdelay $0x3  }
0x37: {  	[smem:$0x3FBB] =	sst s10  }
0x38: {  	s10 =	sld [smem:$0x3FBC]  }
0x39: {  	_ = 	snop;
	(pc) =	sbr.ind lr, $3  }
0x3a: {  	_ = 	snop  }
0x3b: {  	_ = 	snop  }
0x3c: {  	p2 =	seq.s32 s10, $0x1;
	s10 =	sld [smem:$0x3FBB]  }
0x3d: {  	_ =	shalt  }
0x3e: {  	_ =	shalt  }
0x3f: {  	_ =	shalt  }
0x40: {  	_ =	shalt  }
0x41: {  	_ =	shalt  }
0x42: {  	_ =	shalt  }
0x43: {  	_ =	shalt  }
0x44: {  	_ =	shalt  }
0x45: {  	_ =	shalt  }
0x46: {  	_ =	shalt  }
0x47: {  	_ =	shalt  }
0x48: {  	_ =	shalt  }
0x49: {  	_ =	shalt  }
0x4a: {  	_ =	shalt  }
0x4b: {  	_ =	shalt  }
0x4c: {  	_ =	shalt  }
0x4d: {  	_ =	shalt  }
0x4e: {  	_ =	shalt  }
0x4f: {  	_ =	shalt  }
0x50: {  	_ =	shalt  }
0x51: {  	_ =	shalt  }
0x52: {  	_ =	shalt  }
0x53: {  	_ =	shalt  }
0x54: {  	_ =	shalt  }
0x55: {  	_ =	shalt  }
0x56: {  	_ =	shalt  }
0x57: {  	_ =	shalt  }
0x58: {  	_ =	shalt  }
0x59: {  	_ =	shalt  }
0x5a: {  	_ =	shalt  }
0x5b: {  	_ =	shalt  }
0x5c: {  	_ =	shalt  }
0x5d: {  	_ =	shalt  }
0x5e: {  	_ =	shalt  }
0x5f: {  	_ =	shalt  }
0x60: {  	_ =	shalt  }
0x61: {  	_ =	shalt  }
0x62: {  	_ =	shalt  }
0x63: {  	_ =	shalt  }
0x64: {  	_ =	shalt  }
0x65: {  	_ =	shalt  }
0x66: {  	_ =	shalt  }
0x67: {  	_ =	shalt  }
0x68: {  	_ =	shalt  }
0x69: {  	_ =	shalt  }
0x6a: {  	_ =	shalt  }
0x6b: {  	_ =	shalt  }
0x6c: {  	_ =	shalt  }
0x6d: {  	_ =	shalt  }
0x6e: {  	_ =	shalt  }
0x6f: {  	_ =	shalt  }
0x70: {  	_ =	shalt  }
0x71: {  	_ =	shalt  }
0x72: {  	_ =	shalt  }
0x73: {  	_ =	shalt  }
0x74: {  	_ =	shalt  }
0x75: {  	_ =	shalt  }
0x76: {  	_ =	shalt  }
0x77: {  	_ =	shalt  }
0x78: {  	_ =	shalt  }
0x79: {  	_ =	shalt  }
0x7a: {  	_ =	shalt  }
0x7b: {  	_ =	shalt  }
0x7c: {  	_ =	shalt  }
0x7d: {  	_ =	shalt  }
0x7e: {  	_ =	shalt  }
0x7f: {  	_ =	shalt  }
0x80: {  	_ =	shalt  }
0x81: {  	_ =	shalt  }
0x82: {  	_ =	shalt  }
0x83: {  	_ =	shalt  }
0x84: {  	_ =	shalt  }
0x85: {  	_ =	shalt  }
0x86: {  	_ =	shalt  }
0x87: {  	_ =	shalt  }
.Lfunc_end0:
.L_simem_size_0:
called_computation_lowered:
.L_overlay_start_0:
0x88: {  	s2 =	sld [smem:$0x3FD9]  }
0x89: {  	s3 =	sld [smem:$0x3FFE];
	_ =	sdelay $0x1  }
0x8a: {  	s1 =	srdreg.scid  }
0x8b: {  	s0 =	sand.u32 $0x1, s1  }
0x8c: {  	s18 =	sshll.u32 s0, $0xA;
	s2 =	sadd.s32 s3, s2  }
0x8d: {  	s2 =	sadd.s32 s2, s18  }
0x8e: {  	[smem:$0x3FC7] =	sst s2  }
0x8f: {  	_ = 	snop  }
0x90: {  	s2 =	sld [smem:$0x3FC9]  }
0x91: {  	s19 =	sld [smem:$0x3FD0];
	(tm) =	ssettm $0x1  }
0x92: {  	s4 =	sld [smem:$0x3FFB];
	_ =	sdelay $0x3  }
0x93: {  	_ =	strace s4  }
0x94: {  	s4 =	sld [smem:$0x3FFC];
	_ =	sdelay $0x3  }
0x95: {  	_ =	strace s4  }
0x96: {  	s4 =	sld [smem:$0x3FFD];
	_ =	sdelay $0x3  }
0x97: {  	_ =	strace s4  }
0x98: {  	_ =	strace $0x8FFFFFFF  }
0x99: {  	s20 =	sld [smem:$0x3FDB];
	_ =	sdelay $0x1  }
0x9a: {  	s5 =	simm.s32 $_scs_section_size  }
0x9b: {  	s6 =	simm.s32 $_size__tile_overlayer_lowered;
	s7 =	simm.s32 $_tile_overlayer_lowered  }
0x9c: {  	s23 =	simm.s32 $0x1BFF;
	s22 =	sshll.u32 s7, $0x1;
	s4 =	sadd.s32 s5, s20  }
0x9d: {  	s8 =	simm.s32 $0x0;
	s21 =	sshll.u32 s6, $0x1;
	s6 =	sadd.s32 s22, s4  }
0x9e: {  	[timem:s8], [sflag:s23] =	dma.local [hbm:s6], s21  }
0x9f: {  	_ =	swait.ge [sflag:s23], s21  }
0xa0: {  	s5 =	ssub.s32 $0x0, s21;
	[sflag:s23] =	ssyncset.done $0x0  }
0xa1: {  	[sflag:s23] =	ssyncadd.s32 s5;
	_ =	sdelay $0x1  }
0xa2: {  	s24 =	simm.s32 $0x1B8B  }
0xa3: {  	_ =	swait.ge [sflag:s24], $0x1  }
0xa4: {  	[sflag:s24] =	ssyncset.done $0x0  }
0xa5: {  	s25 =	simm.s32 $0x1B8E;
	[sflag:s24] =	ssyncadd.s32 $0xFFFFFFFF  }
0xa6: {  	s26 =	simm.s32 $execute0_lowered;
	[smem:$0x3FD2] =	sst s25  }
0xa7: {  	s5 =	sshll.u32 s26, $0x1;
	_ =	strace $0x80000046;
	[dreg:$0x1] =	wrdreg $0xFFFFFFFF  }
0xa8: {  	s28 =	simm.s32 $_size_execute0_lowered;
	s4 =	sadd.s32 s4, s5;
	[dreg:$0x0] =	wrdreg $0x0  }
0xa9: {  	s5 =	sshll.u32 s28, $0x1;
	[dreg:$0x2] =	wrdreg s4  }
0xaa: {  	[dreg:$0x3] =	wrdreg s5  }
0xab: {  	[dreg:$0x4] =	wrdreg $0xC0  }
0xac: {  	_ =	task [dreg:s8], $0x5FFFF  }
0xad: {  	[dreg:$0x1] =	wrdreg $0xFFFFFFFF  }
0xae: {  	[dreg:$0x0] =	wrdreg $0x60  }
0xaf: {  	[dreg:$0x2] =	wrdreg s2  }
0xb0: {  	[dreg:$0x3] =	wrdreg s19  }
0xb1: {  	[dreg:$0x4] =	wrdreg $0x9  }
0xb2: {  	_ =	task.clear_ibuf [dreg:s8], $0x5FFFF;
	_ =	strace $0x90000046  }
0xb3: {  	s29 =	simm.s32 $0x9;
	_ =	strace $0x80000048  }
0xb4: {  	_ =	swait.ge [sflag:s29], $0x1  }
0xb5: {  	[sflag:s29] =	ssyncadd.s32 $0xFFFFFFFF  }
0xb6: {  	_ =	strace $0x90000048  }
0xb7: {  	_ =	sfence  }
0xb8: {  	s30 =	sld [smem:$0x0];
	_ =	sdelay $0x2  }
0xb9: {  	s31 =	sshll.u32 s1, $0xD;
	s1 =	sshrl.u32 s1, $0x2  }
0xba: {  	s3 =	sand.u32 $0x4000, s31;
	s1 =	sadd.s32 s1, s30  }
0xbb: {  	s0 =	sor.u32 s3, s0;
	s1 =	sshll.u32 s1, $0x11  }
0xbc: {  	s0 =	sor.u32 s1, s0  }
0xbd: {  	s0 =	sadd.s32 $0x8F2B, s0  }
0xbe: {  	[sflag:s0] =	ssyncadd.remote.s32 $0x1  }
0xbf: {  	_ =	sfence.sel $0xFFFF  }
0xc0: {  	[dreg:$0x0] =	wrdreg $0xFFFFFFFF;
	(pc) =	sbr.abs _section_cstart, $3  }
0xc1: {  	[dreg:$0x1] =	wrdreg $0xFFFFFFFF  }
0xc2: {  	_ =	task.clear_ibuf [dreg:s8], $0x2FFFF;
	_ =	strace $0x9FFFFFFF  }
0xc3: {  	(tm) =	ssettm $0x7FFFFFFF  }
tec
execute0_lowered:
.L_overlay_start_1:
0x0: {  	(tag) =	ssettag $0x1  }
0x1: {  	s2 =	rddreg [dreg:$0x0]  }
0x2: {  	s0 =	rddreg [dreg:$0x1]  }
0x3: {  	s3 =	srdreg.scid;
	s1 =	stileid.u32;
	s9 =	simm.s32 $0x100  }
0x4: {  	s10 =	simm.s32 $0x400;
	s11 =	simm.s32 $0x8000;
	s12 =	simm.s32 $0x1  }
0x5: {  	s13 =	simm.s32 $0x10000;
	s14 =	simm.s32 $0x2;
	s15 =	simm.s32 $0x11000  }
0x6: {  	s16 =	simm.s32 $0x3;
	s17 =	simm.s32 $0x0;
	s4 =	sand.u32 $0x1, s3  }
0x7: {  	s3 =	simm.s32 $0x0;
	s5 =	sshll.u32 s1, $0x8;
	s6 =	sshll.u32 s4, $0x7  }
0x8: {  	[smem:$0x7FF] =	sst s3;
	s7 =	ssub.s32 $0x2, s4;
	s6 =	sor.u32 s6, s5  }
0x9: {  	_ =	strace $0x80000047;
	s30 =	sshrl.u32 s7, $0x1;
	s4 =	sshll.u32 s6, $0xB  }
0xa: {  	v1 =	vlaneseq.u32;
	s8 =	ssub.s32 s7, s30;
	s31 =	sshll.u32 s6, $0x5;
	s5 =	sadd.s32 s2, s4  }
0xb: {  	v0 =	vimm.f32 $0.0e+00;
	v2 =	vimm.f32 $6.103515630e-05;
	v1 =	vmul.u32 $0x100, v1;
	s7 =	sadd.s32 s0, s31;
	s8 =	smax.u32 s8, $0x1;
	s6 =	sadd.s32 $0x20, s5  }
.LBB2_1:
0xc: {  	s0 =	simm.s32 $0x10040  }
0xd: {  	[tilespmem:s0+$0xFFFFFFC0] =	vst v0  }
0xe: {  	[tilespmem:s0+$0x30] =	vst v0  }
0xf: {  	[tilespmem:s0+$0x20] =	vst v0  }
0x10: {  	[tilespmem:s0+$0x10] =	vst v0  }
0x11: {  	[tilespmem:s0+$0x0] =	vst v0  }
0x12: {  	[tilespmem:s0+$0xFFFFFFF0] =	vst v0  }
0x13: {  	s18 =	simm.s32 $0x0;
	[tilespmem:s0+$0xFFFFFFE0] =	vst v0  }
.LBB2_2:
0x14: {  	s18 =	sadd.s32 $0x80, s18;
	[tilespmem:s0+$0xFFFFFFD0] =	vst v0;
	s0 =	sadd.s32 $0x80, s0  }
0x15: {  	[tilespmem:s0+$0xFFFFFFC0] =	vst v0;
	p0 =	slt.u32 s18, $0xF80  }
0x16: {  	[tilespmem:s0+$0x30] =	vst v0  }
.Ltmp0:
0x17: {  	[tilespmem:s0+$0x20] =	vst v0;
	(pc) =	sbr.rel @p0 .LBB2_2-.Ltmp0, $4  }
0x18: {  	[tilespmem:s0+$0x10] =	vst v0  }
0x19: {  	[tilespmem:s0+$0x0] =	vst v0  }
0x1a: {  	[tilespmem:s0+$0xFFFFFFF0] =	vst v0  }
0x1b: {  	[tilespmem:s0+$0xFFFFFFE0] =	vst v0  }
0x1c: {  	[tilespmem:s0+$0xFFFFFFD0] =	vst v0;
	s18 =	simm.s32 $0x0  }
0x1d: {  	[tilespmem:s18], [sflag:$0x1] =	stream.strided.gather [hbm4b:s5+s9], $0x8000, s10, s9, $0x38;
	[tilespmem:$0x12000] =	vst v63  }
.LBB2_4:
0x1e: {  	s19 =	sshll.u32 s18, $0x3;
	s20 =	simm.s32 $0x0  }
.LBB2_5:
0x1f: {  	s0 =	sshll.u32 s20, $0x1  }
0x20: {  	s29 =	sshll.u32 s20, $0x6;
	s23 =	sadd.s32 s19, s0  }
0x21: {  	s0 =	sand.u32 $0x40, s29;
	s21 =	sshll.u32 s23, $0xC  }
0x22: {  	s0 =	sadd.s32 s0, s6;
	s21 =	sand.u32 $0x3C000, s21  }
0x23: {  	s0 =	sadd.s32 s21, s0  }
0x24: {  	[tilespmem:s11], [sflag:$0x2] =	stream.strided.gather [hbm4b:s0+s9], $0x8000, s10, s9, $0x38;
	[tilespmem:$0x12000] =	vst v63  }
0x25: {  	_ =	swait.ge [sflag:s12], $0x8000  }
0x26: {  	[sflag:s12] =	ssyncset.done $0x0  }
0x27: {  	s30 =	simm.s32 $0x40;
	[sflag:s12] =	ssyncadd.s32 $0xFFFF8000  }
0x28: {  	v3 =	vld [tilespmem:s30+$0x30]  }
0x29: {  	v4 =	vld [tilespmem:s30+$0xFFFFFFD0]  }
0x2a: {  	v5 =	vld [tilespmem:s30+$0xFFFFFFE0]  }
0x2b: {  	v6 =	vld [tilespmem:s30+$0xFFFFFFF0]  }
0x2c: {  	v7 =	vld [tilespmem:s30+$0x0]  }
0x2d: {  	v8 =	vld [tilespmem:s30+$0x10]  }
0x2e: {  	v9 =	vld [tilespmem:s30+$0x20]  }
0x2f: {  	s31 =	simm.s32 $0x140;
	v10 =	vld [tilespmem:s30+$0xFFFFFFC0]  }
0x30: {  	v11 =	vld [tilespmem:s31+$0x30];
	v3 =	vadd.f32 $4.000000000e+00, v3  }
0x31: {  	v14 =	vld [tilespmem:s31+$0xFFFFFFF0];
	v4 =	vadd.f32 $4.000000000e+00, v4;
	v5 =	vadd.f32 $4.000000000e+00, v5  }
0x32: {  	v17 =	vld [tilespmem:s31+$0x0];
	v6 =	vadd.f32 $4.000000000e+00, v6;
	v7 =	vadd.f32 $4.000000000e+00, v7  }
0x33: {  	v8 =	vadd.f32 $4.000000000e+00, v8;
	v9 =	vadd.f32 $4.000000000e+00, v9  }
0x34: {  	v10 =	vadd.f32 $4.000000000e+00, v10;
	v3 =	vmul.f32 $3.200000000e+01, v3;
	v4 =	vmul.f32 $3.200000000e+01, v4  }
0x35: {  	v11 =	vadd.f32 $4.000000000e+00, v11;
	v5 =	vmul.f32 $3.200000000e+01, v5;
	v6 =	vmul.f32 $3.200000000e+01, v6  }
0x36: {  	v14 =	vadd.f32 $4.000000000e+00, v14;
	v7 =	vmul.f32 $3.200000000e+01, v7;
	v8 =	vmul.f32 $3.200000000e+01, v8  }
0x37: {  	v17 =	vadd.f32 $4.000000000e+00, v17;
	v9 =	vmul.f32 $3.200000000e+01, v9;
	v10 =	vmul.f32 $3.200000000e+01, v10  }
0x38: {  	v11 =	vmul.f32 $3.200000000e+01, v11;
	v14 =	vmul.f32 $3.200000000e+01, v14  }
0x39: {  	v17 =	vmul.f32 $3.200000000e+01, v17;
	v3 =	vmax.f32 v3, $0.0e+00;
	v4 =	vmax.f32 v4, $0.0e+00  }
0x3a: {  	v5 =	vmax.f32 v5, $0.0e+00;
	v6 =	vmax.f32 v6, $0.0e+00;
	v7 =	vmax.f32 v7, $0.0e+00  }
0x3b: {  	v8 =	vmax.f32 v8, $0.0e+00;
	v9 =	vmax.f32 v9, $0.0e+00;
	v10 =	vmax.f32 v10, $0.0e+00  }
0x3c: {  	v11 =	vmax.f32 v11, $0.0e+00;
	v3 =	vmin.f32 v3, $2.550000000e+02;
	v4 =	vmin.f32 v4, $2.550000000e+02  }
0x3d: {  	v5 =	vmin.f32 v5, $2.550000000e+02;
	v10 =	vmin.f32 v10, $2.550000000e+02;
	v6 =	vmin.f32 v6, $2.550000000e+02  }
0x3e: {  	v7 =	vmin.f32 v7, $2.550000000e+02;
	v3 =	vtrunc.f32 v3;
	v10 =	vtrunc.f32 v10  }
0x3f: {  	v12 =	vld [tilespmem:s31+$0xFFFFFFD0];
	v8 =	vmin.f32 v8, $2.550000000e+02;
	v4 =	vtrunc.f32 v4;
	v5 =	vtrunc.f32 v5  }
0x40: {  	v19 =	vld [tilespmem:s31+$0x10];
	v9 =	vmin.f32 v9, $2.550000000e+02;
	v6 =	vtrunc.f32 v6;
	v7 =	vtrunc.f32 v7  }
0x41: {  	v13 =	vld [tilespmem:s31+$0xFFFFFFE0];
	v11 =	vmin.f32 v11, $2.550000000e+02;
	v8 =	vtrunc.f32 v8;
	v9 =	vtrunc.f32 v9  }
0x42: {  	v11 =	vtrunc.f32 v11;
	v3 =	vcvt.f32.s32 v3  }
0x43: {  	v10 =	vcvt.f32.s32 v10;
	v15 =	vcvt.f32.s32 v4  }
0x44: {  	v18 =	vcvt.f32.s32 v5;
	v16 =	vadd.s32 v1, v3;
	v3 =	vcvt.f32.s32 v9;
	v9 =	vld [tilespmem:s31+$0xFFFFFFC0]  }
0x45: {  	v61 =	vadd.f32 $4.000000000e+00, v19;
	v5 =	vcvt.f32.s32 v7;
	v4 =	vcvt.f32.s32 v8;
	v8 =	vld [tilespmem:s31+$0x20]  }
0x46: {  	v7 =	vadd.f32 $4.000000000e+00, v12;
	v12 =	vadd.f32 $4.000000000e+00, v13;
	v10 =	vadd.s32 v1, v10  }
0x47: {  	v6 =	vcvt.f32.s32 v6;
	v11 =	vcvt.f32.s32 v11;
	v13 =	vadd.s32 v1, v15  }
0x48: {  	v20 =	vmax.f32 v14, $0.0e+00;
	v7 =	vmul.f32 $3.200000000e+01, v7;
	v12 =	vmul.f32 $3.200000000e+01, v12  }
0x49: {  	v15 =	vadd.s32 v1, v18;
	v18 =	vmul.f32 $3.200000000e+01, v61;
	v9 =	vadd.f32 $4.000000000e+00, v9  }
0x4a: {  	v62 =	vmax.f32 v7, $0.0e+00;
	v12 =	vmax.f32 v12, $0.0e+00;
	v8 =	vadd.f32 $4.000000000e+00, v8  }
0x4b: {  	v7 =	vadd.s32 v1, v11;
	v12 =	vmin.f32 v12, $2.550000000e+02;
	[tilespmem:v10+s13+$0x0] =	vst.idx.add.f32.msk $0xffff, v2;
	v63 =	vmul.f32 $3.200000000e+01, v9  }
0x4c: {  	v8 =	vmul.f32 $3.200000000e+01, v8;
	v10 =	vmax.f32 v17, $0.0e+00;
	[tilespmem:v13+s13+$0x0] =	vst.idx.add.f32.msk $0xffff, v2;
	v13 =	vmin.f32 v62, $2.550000000e+02  }
0x4d: {  	[tilespmem:v16+s13+$0x0] =	vst.idx.add.f32.msk $0xffff, v2;
	v10 =	vmin.f32 v10, $2.550000000e+02;
	v9 =	vmax.f32 v18, $0.0e+00;
	v11 =	vmax.f32 v63, $0.0e+00  }
0x4e: {  	s21 =	simm.s32 $0x240;
	s0 =	simm.s32 $0x80;
	[tilespmem:v15+s13+$0x0] =	vst.idx.add.f32.msk $0xffff, v2;
	v8 =	vmax.f32 v8, $0.0e+00;
	v14 =	vmin.f32 v11, $2.550000000e+02;
	v11 =	vmin.f32 v20, $2.550000000e+02  }
.LBB2_6:
0x4f: {  	v15 =	vld [tilespmem:s21+$0x30];
	v14 =	vtrunc.f32 v14;
	v9 =	vmin.f32 v9, $2.550000000e+02;
	v8 =	vmin.f32 v8, $2.550000000e+02  }
0x50: {  	s0 =	sadd.s32 $0x80, s0;
	v13 =	vtrunc.f32 v13;
	v12 =	vtrunc.f32 v12;
	[tilespmem:v7+s13+$0x0] =	vst.idx.add.f32.msk $0xffff, v2;
	v7 =	vadd.s32 v1, v6  }
0x51: {  	v10 =	vtrunc.f32 v10;
	p0 =	slt.u32 s0, $0x3F80;
	v6 =	vtrunc.f32 v11;
	v11 =	vadd.s32 v1, v5;
	v16 =	vld [tilespmem:s21+$0xFFFFFFD0]  }
0x52: {  	v18 =	vadd.s32 v1, v4;
	v9 =	vtrunc.f32 v9;
	v8 =	vtrunc.f32 v8;
	v17 =	vld [tilespmem:s21+$0xFFFFFFE0]  }
0x53: {  	v20 =	vadd.s32 v1, v3;
	v14 =	vcvt.f32.s32 v14;
	v13 =	vcvt.f32.s32 v13;
	v19 =	vld [tilespmem:s21+$0xFFFFFFF0]  }
0x54: {  	v12 =	vcvt.f32.s32 v12;
	v6 =	vcvt.f32.s32 v6;
	v21 =	vld [tilespmem:s21+$0x0]  }
0x55: {  	v5 =	vcvt.f32.s32 v10;
	v4 =	vcvt.f32.s32 v9;
	v15 =	vadd.f32 $4.000000000e+00, v15;
	v22 =	vld [tilespmem:s21+$0x10]  }
0x56: {  	v3 =	vcvt.f32.s32 v8;
	v14 =	vadd.s32 v1, v14;
	v9 =	vadd.f32 $4.000000000e+00, v16;
	v10 =	vld [tilespmem:s21+$0x20]  }
0x57: {  	v13 =	vadd.s32 v1, v13;
	v15 =	vmul.f32 $3.200000000e+01, v15;
	v8 =	vld [tilespmem:s21+$0xFFFFFFC0];
	v16 =	vadd.f32 $4.000000000e+00, v17  }
0x58: {  	v12 =	vadd.s32 v1, v12;
	v9 =	vmul.f32 $3.200000000e+01, v9;
	v17 =	vadd.f32 $4.000000000e+00, v19;
	[tilespmem:v7+s13+$0x0] =	vst.idx.add.f32.msk $0xffff, v2  }
0x59: {  	v15 =	vmax.f32 v15, $0.0e+00;
	v7 =	vmul.f32 $3.200000000e+01, v16;
	v16 =	vadd.f32 $4.000000000e+00, v21;
	[tilespmem:v11+s13+$0x0] =	vst.idx.add.f32.msk $0xffff, v2  }
0x5a: {  	v15 =	vmin.f32 v15, $2.550000000e+02;
	v11 =	vmul.f32 $3.200000000e+01, v17;
	v17 =	vadd.f32 $4.000000000e+00, v22;
	[tilespmem:v18+s13+$0x0] =	vst.idx.add.f32.msk $0xffff, v2  }
0x5b: {  	v15 =	vtrunc.f32 v15;
	v16 =	vmul.f32 $3.200000000e+01, v16;
	v10 =	vadd.f32 $4.000000000e+00, v10;
	[tilespmem:v14+s13+$0x0] =	vst.idx.add.f32.msk $0xffff, v2  }
0x5c: {  	v15 =	vcvt.f32.s32 v15;
	v8 =	vadd.f32 $4.000000000e+00, v8;
	v14 =	vmul.f32 $3.200000000e+01, v17;
	[tilespmem:v13+s13+$0x0] =	vst.idx.add.f32.msk $0xffff, v2  }
.Ltmp1:
0x5d: {  	v13 =	vmax.f32 v9, $0.0e+00;
	v17 =	vmax.f32 v7, $0.0e+00;
	v10 =	vmul.f32 $3.200000000e+01, v10;
	[tilespmem:v12+s13+$0x0] =	vst.idx.add.f32.msk $0xffff, v2;
	(pc) =	sbr.rel @p0 .LBB2_6-.Ltmp1, $4  }
0x5e: {  	v11 =	vmax.f32 v11, $0.0e+00;
	v7 =	vadd.s32 v1, v15;
	v12 =	vmul.f32 $3.200000000e+01, v8;
	[tilespmem:v20+s13+$0x0] =	vst.idx.add.f32.msk $0xffff, v2  }
0x5f: {  	v15 =	vmax.f32 v16, $0.0e+00;
	v9 =	vmax.f32 v14, $0.0e+00;
	v8 =	vmax.f32 v10, $0.0e+00  }
0x60: {  	v13 =	vmin.f32 v13, $2.550000000e+02;
	v10 =	vmax.f32 v12, $0.0e+00;
	v12 =	vmin.f32 v17, $2.550000000e+02  }
0x61: {  	s21 =	sadd.s32 $0x100, s21;
	v11 =	vmin.f32 v11, $2.550000000e+02;
	v14 =	vmin.f32 v10, $2.550000000e+02;
	v10 =	vmin.f32 v15, $2.550000000e+02  }
0x62: {  	v14 =	vtrunc.f32 v14;
	v6 =	vadd.s32 v1, v6  }
0x63: {  	v13 =	vtrunc.f32 v13;
	v5 =	vadd.s32 v1, v5;
	v12 =	vtrunc.f32 v12  }
0x64: {  	v4 =	vadd.s32 v1, v4;
	v9 =	vmin.f32 v9, $2.550000000e+02;
	v14 =	vcvt.f32.s32 v14  }
0x65: {  	v8 =	vmin.f32 v8, $2.550000000e+02;
	v3 =	vadd.s32 v1, v3;
	v13 =	vcvt.f32.s32 v13  }
0x66: {  	[tilespmem:v7+s13+$0x0] =	vst.idx.add.f32.msk $0xffff, v2;
	v7 =	vtrunc.f32 v11;
	v12 =	vcvt.f32.s32 v12;
	v14 =	vadd.s32 v1, v14  }
0x67: {  	v10 =	vtrunc.f32 v10;
	v7 =	vcvt.f32.s32 v7;
	v11 =	vadd.s32 v1, v13;
	[tilespmem:v6+s13+$0x0] =	vst.idx.add.f32.msk $0xffff, v2  }
0x68: {  	v12 =	vadd.s32 v1, v12;
	v6 =	vtrunc.f32 v9;
	v9 =	vcvt.f32.s32 v10;
	[tilespmem:v5+s13+$0x0] =	vst.idx.add.f32.msk $0xffff, v2  }
0x69: {  	v5 =	vtrunc.f32 v8;
	[tilespmem:v4+s13+$0x0] =	vst.idx.add.f32.msk $0xffff, v2;
	v4 =	vadd.s32 v1, v7;
	v6 =	vcvt.f32.s32 v6  }
0x6a: {  	[tilespmem:v3+s13+$0x0] =	vst.idx.add.f32.msk $0xffff, v2;
	v5 =	vcvt.f32.s32 v5;
	v7 =	vadd.s32 v1, v9  }
0x6b: {  	[tilespmem:v14+s13+$0x0] =	vst.idx.add.f32.msk $0xffff, v2;
	v6 =	vadd.s32 v1, v6  }
0x6c: {  	[tilespmem:v11+s13+$0x0] =	vst.idx.add.f32.msk $0xffff, v2;
	v5 =	vadd.s32 v1, v5  }
0x6d: {  	[tilespmem:v12+s13+$0x0] =	vst.idx.add.f32.msk $0xffff, v2  }
0x6e: {  	[tilespmem:v4+s13+$0x0] =	vst.idx.add.f32.msk $0xffff, v2  }
0x6f: {  	[tilespmem:v7+s13+$0x0] =	vst.idx.add.f32.msk $0xffff, v2  }
0x70: {  	[tilespmem:v6+s13+$0x0] =	vst.idx.add.f32.msk $0xffff, v2  }
0x71: {  	s1 =	simm.s32 $0x10810;
	[tilespmem:v5+s13+$0x0] =	vst.idx.add.f32.msk $0xffff, v2  }
0x72: {  	v4 =	vld [tilespmem:s1+$0xFFFFF900]  }
0x73: {  	v5 =	vld [tilespmem:s1+$0xFFFFF7F0]  }
0x74: {  	s25 =	simm.s32 $0x0;
	v6 =	vld [tilespmem:s1+$0xFFFFF800]  }
0x75: {  	s28 =	sand.u32 $0xE0, s25;
	v7 =	vld [tilespmem:s1+$0xFFFFFA00];
	[tilespmem:s1+$0xFFFFF7F0] =	vst v0  }
0x76: {  	v8 =	vld [tilespmem:s28+$0x10100]  }
0x77: {  	[tilespmem:s1+$0xFFFFFA00] =	vst v0;
	v10 =	vld [tilespmem:s1+$0xFFFFFB00]  }
0x78: {  	[tilespmem:s1+$0xFFFFFB00] =	vst v0;
	v9 =	vld [tilespmem:s28+$0x10200]  }
0x79: {  	[tilespmem:s1+$0xFFFFF900] =	vst v0;
	v11 =	vld [tilespmem:s28+$0x10300];
	v4 =	vadd.f32 v4, v6  }
0x7a: {  	[tilespmem:s1+$0xFFFFF800] =	vst v0;
	v6 =	vld [tilespmem:s1+$0xFFFFFC00]  }
0x7b: {  	[tilespmem:s28+$0x10200] =	vst v0;
	v5 =	vadd.f32 v8, v5;
	v8 =	vld [tilespmem:s28+$0x10400];
	v4 =	vadd.f32 v7, v4  }
0x7c: {  	[tilespmem:s28+$0x10300] =	vst v0;
	v7 =	vld [tilespmem:s1+$0xFFFFFD00]  }
0x7d: {  	[tilespmem:s28+$0x10100] =	vst v0;
	v5 =	vadd.f32 v9, v5;
	v9 =	vld [tilespmem:s28+$0x10500];
	v4 =	vadd.f32 v10, v4  }
0x7e: {  	[tilespmem:s1+$0xFFFFFC00] =	vst v0;
	v10 =	vld [tilespmem:s1+$0xFFFFFE00]  }
0x7f: {  	[tilespmem:s28+$0x10400] =	vst v0;
	v5 =	vadd.f32 v11, v5;
	v11 =	vld [tilespmem:s28+$0x10600];
	v4 =	vadd.f32 v6, v4  }
0x80: {  	[tilespmem:s1+$0xFFFFFD00] =	vst v0;
	v6 =	vld [tilespmem:s1+$0xFFFFFF00]  }
0x81: {  	[tilespmem:s28+$0x10500] =	vst v0;
	v5 =	vadd.f32 v8, v5;
	v8 =	vld [tilespmem:s28+$0x10700];
	v4 =	vadd.f32 v7, v4  }
0x82: {  	[tilespmem:s1+$0xFFFFFE00] =	vst v0;
	v7 =	vld [tilespmem:s1+$0x0]  }
0x83: {  	[tilespmem:s28+$0x10600] =	vst v0;
	v5 =	vadd.f32 v9, v5;
	v9 =	vld [tilespmem:s28+$0x10800];
	v4 =	vadd.f32 v10, v4  }
0x84: {  	[tilespmem:s1+$0xFFFFFF00] =	vst v0;
	v10 =	vld [tilespmem:s1+$0x100]  }
0x85: {  	[tilespmem:s28+$0x10700] =	vst v0;
	v5 =	vadd.f32 v11, v5;
	v11 =	vld [tilespmem:s28+$0x10900];
	v4 =	vadd.f32 v6, v4  }
0x86: {  	[tilespmem:s1+$0x0] =	vst v0;
	v6 =	vld [tilespmem:s1+$0x200]  }
0x87: {  	[tilespmem:s28+$0x10800] =	vst v0;
	v5 =	vadd.f32 v8, v5;
	v8 =	vld [tilespmem:s28+$0x10A00];
	v4 =	vadd.f32 v7, v4  }
0x88: {  	[tilespmem:s1+$0x100] =	vst v0;
	v7 =	vld [tilespmem:s1+$0x300]  }
0x89: {  	[tilespmem:s28+$0x10900] =	vst v0;
	v5 =	vadd.f32 v9, v5;
	v9 =	vld [tilespmem:s28+$0x10B00];
	v4 =	vadd.f32 v10, v4  }
0x8a: {  	[tilespmem:s1+$0x200] =	vst v0;
	v10 =	vld [tilespmem:s1+$0x400]  }
0x8b: {  	[tilespmem:s28+$0x10A00] =	vst v0;
	v5 =	vadd.f32 v11, v5;
	v11 =	vld [tilespmem:s28+$0x10C00];
	v4 =	vadd.f32 v6, v4  }
0x8c: {  	[tilespmem:s1+$0x300] =	vst v0;
	v6 =	vld [tilespmem:s1+$0x500]  }
0x8d: {  	[tilespmem:s28+$0x10B00] =	vst v0;
	v5 =	vadd.f32 v8, v5;
	v8 =	vld [tilespmem:s28+$0x10D00];
	v4 =	vadd.f32 v7, v4  }
0x8e: {  	[tilespmem:s1+$0x400] =	vst v0;
	v7 =	vld [tilespmem:s1+$0x600]  }
0x8f: {  	[tilespmem:s28+$0x10C00] =	vst v0;
	v5 =	vadd.f32 v9, v5;
	v9 =	vld [tilespmem:s28+$0x10E00];
	v4 =	vadd.f32 v10, v4  }
0x90: {  	s0 =	sshll.u32 s20, $0x9;
	[tilespmem:s1+$0x500] =	vst v0;
	v10 =	vld [tilespmem:s1+$0x700]  }
0x91: {  	s22 =	sand.u32 $0x200, s0;
	[tilespmem:s28+$0x10D00] =	vst v0;
	v5 =	vadd.f32 v11, v5;
	v6 =	vadd.f32 v6, v4  }
0x92: {  	s21 =	sshll.u32 s20, $0xA;
	s26 =	simm.s32 $0x10830;
	v3 =	vmov s22;
	[tilespmem:s1+$0x600] =	vst v0;
	v11 =	vld [tilespmem:s28+$0x10F00]  }
0x93: {  	s24 =	simm.s32 $0x0;
	s30 =	simm.s32 $0x10;
	s31 =	sand.u32 $0x800, s21;
	[tilespmem:s28+$0x10E00] =	vst v0;
	v4 =	vld [tilespmem:s26+$0xFFFFFA00];
	v5 =	vadd.f32 v8, v5;
	v8 =	vadd.f32 v7, v6  }
0x94: {  	s29 =	sand.u32 $0x400, s24;
	s21 =	sor.u32 $0x11000, s31;
	[tilespmem:s28+$0x10F00] =	vst v0;
	s28 =	simm.s32 $0x20;
	v6 =	vld [tilespmem:s26+$0xFFFFF900]  }
0x95: {  	s30 =	sand.u32 $0x70, s30;
	s31 =	sadd.s32 s29, s21;
	s29 =	sand.u32 $0xE0, s28;
	v7 =	vld [tilespmem:s26+$0xFFFFF7F0];
	[tilespmem:s26+$0xFFFFF7F0] =	vst v0;
	v5 =	vadd.f32 v9, v5;
	v10 =	vadd.f32 v10, v8  }
0x96: {  	s0 =	sand.u32 $0x60, s25;
	[tilespmem:s1+$0x700] =	vst v0;
	s1 =	sadd.s32 s30, s31;
	v9 =	vld [tilespmem:s29+$0x10100]  }
0x97: {  	s0 =	sadd.s32 s0, s31;
	s30 =	simm.s32 $0x10850;
	v8 =	vld [tilespmem:s26+$0xFFFFF800];
	v5 =	vadd.f32 v11, v5;
	[tilespmem:v3+s1+$0x0 ss:$0x1] =	vst.idx.msk $0xffff, v10  }
.LBB2_8:
0x98: {  	s24 =	sadd.s32 $0x100, s24  }
0x99: {  	v10 =	vld [tilespmem:s30+$0xFFFFFA00];
	[tilespmem:v3+s0+$0x0 ss:$0x1] =	vst.idx.msk $0xffff, v5;
	s31 =	smov.u32 s28;
	s0 =	smov.u32 s28;
	s28 =	sadd.s32 $0x20, s28  }
0x9a: {  	p0 =	slt.u32 s28, $0xE0;
	v5 =	vld [tilespmem:s29+$0x10200];
	[tilespmem:s26+$0xFFFFFA00] =	vst v0  }
0x9b: {  	[tilespmem:s29+$0x10200] =	vst v0;
	v11 =	vld [tilespmem:s26+$0xFFFFFB00]  }
0x9c: {  	v12 =	vld [tilespmem:s29+$0x10300];
	v6 =	vadd.f32 v6, v8;
	[tilespmem:s26+$0xFFFFFB00] =	vst v0  }
0x9d: {  	v7 =	vadd.f32 v9, v7;
	[tilespmem:s29+$0x10300] =	vst v0;
	v8 =	vld [tilespmem:s26+$0xFFFFFC00]  }
0x9e: {  	v9 =	vld [tilespmem:s29+$0x10400];
	[tilespmem:s26+$0xFFFFF900] =	vst v0;
	v6 =	vadd.f32 v4, v6;
	v4 =	vmov v10  }
0x9f: {  	v5 =	vadd.f32 v5, v7;
	[tilespmem:s29+$0x10400] =	vst v0;
	v7 =	vld [tilespmem:s26+$0xFFFFFD00]  }
0xa0: {  	v10 =	vld [tilespmem:s29+$0x10500];
	v6 =	vadd.f32 v11, v6;
	[tilespmem:s26+$0xFFFFFD00] =	vst v0  }
0xa1: {  	v5 =	vadd.f32 v12, v5;
	[tilespmem:s29+$0x10500] =	vst v0;
	v11 =	vld [tilespmem:s26+$0xFFFFFE00]  }
0xa2: {  	v12 =	vld [tilespmem:s29+$0x10600];
	v6 =	vadd.f32 v8, v6;
	[tilespmem:s26+$0xFFFFFC00] =	vst v0  }
0xa3: {  	v5 =	vadd.f32 v9, v5;
	[tilespmem:s29+$0x10600] =	vst v0;
	v8 =	vld [tilespmem:s26+$0xFFFFFF00]  }
0xa4: {  	v9 =	vld [tilespmem:s29+$0x10700];
	v6 =	vadd.f32 v7, v6;
	[tilespmem:s26+$0xFFFFFF00] =	vst v0  }
0xa5: {  	v5 =	vadd.f32 v10, v5;
	[tilespmem:s29+$0x10700] =	vst v0;
	v7 =	vld [tilespmem:s26+$0x0]  }
0xa6: {  	v10 =	vld [tilespmem:s29+$0x10800];
	v6 =	vadd.f32 v11, v6;
	[tilespmem:s26+$0xFFFFFE00] =	vst v0  }
0xa7: {  	v5 =	vadd.f32 v12, v5;
	[tilespmem:s29+$0x10800] =	vst v0;
	v11 =	vld [tilespmem:s26+$0x100]  }
0xa8: {  	v12 =	vld [tilespmem:s29+$0x10900];
	v6 =	vadd.f32 v8, v6;
	[tilespmem:s26+$0x100] =	vst v0  }
0xa9: {  	v5 =	vadd.f32 v9, v5;
	[tilespmem:s29+$0x10900] =	vst v0;
	v8 =	vld [tilespmem:s26+$0x200]  }
0xaa: {  	v9 =	vld [tilespmem:s29+$0x10A00];
	v6 =	vadd.f32 v7, v6;
	[tilespmem:s26+$0x0] =	vst v0  }
0xab: {  	v5 =	vadd.f32 v10, v5;
	[tilespmem:s29+$0x10A00] =	vst v0;
	v7 =	vld [tilespmem:s26+$0x300]  }
0xac: {  	v10 =	vld [tilespmem:s29+$0x10B00];
	v6 =	vadd.f32 v11, v6;
	[tilespmem:s26+$0x200] =	vst v0  }
0xad: {  	v5 =	vadd.f32 v12, v5;
	[tilespmem:s26+$0x300] =	vst v0;
	v11 =	vld [tilespmem:s26+$0x400]  }
0xae: {  	v12 =	vld [tilespmem:s29+$0x10C00];
	v6 =	vadd.f32 v8, v6;
	[tilespmem:s26+$0x400] =	vst v0  }
0xaf: {  	v5 =	vadd.f32 v9, v5;
	[tilespmem:s29+$0x10C00] =	vst v0;
	v8 =	vld [tilespmem:s26+$0x500]  }
0xb0: {  	v9 =	vld [tilespmem:s29+$0x10D00];
	v6 =	vadd.f32 v7, v6;
	[tilespmem:s26+$0x500] =	vst v0  }
0xb1: {  	[tilespmem:s29+$0x10100] =	vst v0;
	v5 =	vadd.f32 v10, v5;
	v7 =	vld [tilespmem:s26+$0x600]  }
0xb2: {  	v10 =	vld [tilespmem:s29+$0x10E00];
	v6 =	vadd.f32 v11, v6;
	[tilespmem:s26+$0x600] =	vst v0  }
0xb3: {  	[tilespmem:s29+$0x10B00] =	vst v0;
	v5 =	vadd.f32 v12, v5;
	v11 =	vld [tilespmem:s26+$0x700]  }
0xb4: {  	v12 =	vld [tilespmem:s29+$0x10F00];
	v6 =	vadd.f32 v8, v6;
	[tilespmem:s26+$0x700] =	vst v0  }
0xb5: {  	v5 =	vadd.f32 v9, v5;
	[tilespmem:s29+$0x10F00] =	vst v0  }
.Ltmp2:
0xb6: {  	[tilespmem:s29+$0x10E00] =	vst v0;
	v8 =	vadd.f32 v7, v6;
	(pc) =	sbr.rel @p0 .LBB2_8-.Ltmp2, $4  }
0xb7: {  	s1 =	sand.u32 $0x400, s24;
	v6 =	vld [tilespmem:s30+$0xFFFFF900];
	[tilespmem:s29+$0x10D00] =	vst v0;
	v5 =	vadd.f32 v10, v5;
	s29 =	sadd.s32 $0x30, s25;
	s25 =	smov.u32 s0  }
0xb8: {  	s0 =	sadd.s32 s1, s21;
	v7 =	vld [tilespmem:s30+$0xFFFFF7F0];
	s1 =	sand.u32 $0x70, s29;
	[tilespmem:s26+$0xFFFFF800] =	vst v0;
	v10 =	vadd.f32 v11, v8;
	s26 =	smov.u32 s30  }
0xb9: {  	s31 =	sand.u32 $0x60, s31;
	s29 =	sand.u32 $0xE0, s28;
	[tilespmem:s30+$0xFFFFF7F0] =	vst v0;
	v8 =	vld [tilespmem:s30+$0xFFFFF800];
	v5 =	vadd.f32 v12, v5;
	s1 =	sadd.s32 s1, s0  }
0xba: {  	s30 =	sadd.s32 $0x20, s30;
	s0 =	sadd.s32 s31, s0;
	v9 =	vld [tilespmem:s29+$0x10100];
	[tilespmem:v3+s1+$0x0 ss:$0x1] =	vst.idx.msk $0xffff, v10  }
0xbb: {  	_ = 	snop  }
0xbc: {  	v10 =	vld [tilespmem:s29+$0x10200]  }
0xbd: {  	[tilespmem:s26+$0xFFFFFA00] =	vst v0;
	v11 =	vld [tilespmem:s26+$0xFFFFFB00]  }
0xbe: {  	[tilespmem:s29+$0x10200] =	vst v0;
	v12 =	vld [tilespmem:s29+$0x10300]  }
0xbf: {  	[tilespmem:v3+s0+$0x0 ss:$0x1] =	vst.idx.msk $0xffff, v5;
	v5 =	vld [tilespmem:s29+$0x10F00];
	v6 =	vadd.f32 v6, v8  }
0xc0: {  	[tilespmem:s26+$0xFFFFFB00] =	vst v0;
	v8 =	vld [tilespmem:s26+$0xFFFFFC00];
	v7 =	vadd.f32 v9, v7  }
0xc1: {  	[tilespmem:s29+$0x10300] =	vst v0;
	v9 =	vld [tilespmem:s29+$0x10400];
	v4 =	vadd.f32 v4, v6  }
0xc2: {  	[tilespmem:s26+$0xFFFFF900] =	vst v0;
	v6 =	vld [tilespmem:s26+$0xFFFFFD00];
	v7 =	vadd.f32 v10, v7  }
0xc3: {  	[tilespmem:s29+$0x10100] =	vst v0;
	v10 =	vld [tilespmem:s29+$0x10500];
	v4 =	vadd.f32 v11, v4  }
0xc4: {  	[tilespmem:s29+$0x10F00] =	vst v0;
	v11 =	vld [tilespmem:s26+$0xFFFFFE00];
	v7 =	vadd.f32 v12, v7  }
0xc5: {  	[tilespmem:s26+$0xFFFFF800] =	vst v0;
	v12 =	vld [tilespmem:s29+$0x10600];
	v4 =	vadd.f32 v8, v4  }
0xc6: {  	[tilespmem:s26+$0xFFFFFC00] =	vst v0;
	v8 =	vld [tilespmem:s26+$0xFFFFFF00];
	v7 =	vadd.f32 v9, v7  }
0xc7: {  	[tilespmem:s29+$0x10400] =	vst v0;
	v9 =	vld [tilespmem:s29+$0x10700];
	v4 =	vadd.f32 v6, v4  }
0xc8: {  	[tilespmem:s26+$0xFFFFFD00] =	vst v0;
	v6 =	vld [tilespmem:s26+$0x0];
	v7 =	vadd.f32 v10, v7  }
0xc9: {  	[tilespmem:s29+$0x10500] =	vst v0;
	v10 =	vld [tilespmem:s29+$0x10800];
	v4 =	vadd.f32 v11, v4  }
0xca: {  	[tilespmem:s26+$0xFFFFFE00] =	vst v0;
	v11 =	vld [tilespmem:s26+$0x100];
	v7 =	vadd.f32 v12, v7  }
0xcb: {  	[tilespmem:s29+$0x10600] =	vst v0;
	v12 =	vld [tilespmem:s29+$0x10900];
	v4 =	vadd.f32 v8, v4  }
0xcc: {  	[tilespmem:s26+$0xFFFFFF00] =	vst v0;
	v8 =	vld [tilespmem:s26+$0x200];
	v7 =	vadd.f32 v9, v7  }
0xcd: {  	[tilespmem:s29+$0x10700] =	vst v0;
	v9 =	vld [tilespmem:s29+$0x10A00];
	v4 =	vadd.f32 v6, v4  }
0xce: {  	[tilespmem:s26+$0x0] =	vst v0;
	v6 =	vld [tilespmem:s26+$0x300];
	v7 =	vadd.f32 v10, v7  }
0xcf: {  	[tilespmem:s29+$0x10800] =	vst v0;
	v10 =	vld [tilespmem:s29+$0x10B00];
	v4 =	vadd.f32 v11, v4  }
0xd0: {  	[tilespmem:s26+$0x100] =	vst v0;
	v11 =	vld [tilespmem:s26+$0x400];
	v7 =	vadd.f32 v12, v7  }
0xd1: {  	[tilespmem:s29+$0x10900] =	vst v0;
	v4 =	vadd.f32 v8, v4;
	v8 =	vld [tilespmem:s29+$0x10C00]  }
0xd2: {  	[tilespmem:s26+$0x200] =	vst v0;
	v7 =	vadd.f32 v9, v7;
	v9 =	vld [tilespmem:s26+$0x500]  }
0xd3: {  	[tilespmem:s29+$0x10A00] =	vst v0;
	v4 =	vadd.f32 v6, v4;
	v6 =	vld [tilespmem:s29+$0x10D00]  }
0xd4: {  	[tilespmem:s26+$0x300] =	vst v0;
	v7 =	vadd.f32 v10, v7;
	v10 =	vld [tilespmem:s26+$0x600]  }
0xd5: {  	[tilespmem:s29+$0x10B00] =	vst v0;
	v4 =	vadd.f32 v11, v4;
	v11 =	vld [tilespmem:s29+$0x10E00]  }
0xd6: {  	[tilespmem:s26+$0x400] =	vst v0;
	v7 =	vadd.f32 v8, v7;
	v8 =	vld [tilespmem:s26+$0x700]  }
0xd7: {  	[tilespmem:s29+$0x10C00] =	vst v0;
	v4 =	vadd.f32 v9, v4  }
0xd8: {  	[tilespmem:s26+$0x500] =	vst v0;
	v6 =	vadd.f32 v6, v7  }
0xd9: {  	s24 =	sadd.s32 $0x100, s24;
	[tilespmem:s29+$0x10D00] =	vst v0;
	v4 =	vadd.f32 v10, v4  }
0xda: {  	s1 =	sadd.s32 $0x30, s25;
	s0 =	sand.u32 $0x400, s24;
	[tilespmem:s26+$0x600] =	vst v0;
	v6 =	vadd.f32 v11, v6  }
0xdb: {  	s1 =	sand.u32 $0x70, s1;
	s0 =	sadd.s32 s0, s21;
	[tilespmem:s29+$0x10E00] =	vst v0;
	v4 =	vadd.f32 v8, v4  }
0xdc: {  	s1 =	sadd.s32 s1, s0;
	s29 =	sand.u32 $0x60, s28;
	[tilespmem:s26+$0x700] =	vst v0;
	v5 =	vadd.f32 v5, v6  }
0xdd: {  	s24 =	sadd.s32 s29, s0;
	[tilespmem:v3+s1+$0x0 ss:$0x1] =	vst.idx.msk $0xffff, v4  }
0xde: {  	s30 =	simm.s32 $0xF0;
	[tilespmem:v3+s24+$0x0 ss:$0x1] =	vst.idx.msk $0xffff, v5  }
0xdf: {  	v3 =	vld [tilespmem:s30+$0x0]  }
0xe0: {  	v4 =	vld [tilespmem:s30+$0xFFFFFFA0]  }
0xe1: {  	v5 =	vld [tilespmem:s30+$0xFFFFFFB0]  }
0xe2: {  	v6 =	vld [tilespmem:s30+$0xFFFFFFC0]  }
0xe3: {  	v7 =	vld [tilespmem:s30+$0xFFFFFFD0]  }
0xe4: {  	v8 =	vld [tilespmem:s30+$0xFFFFFFE0]  }
0xe5: {  	v9 =	vld [tilespmem:s30+$0xFFFFFFF0]  }
0xe6: {  	s31 =	simm.s32 $0x1F0;
	v10 =	vld [tilespmem:s30+$0xFFFFFF90]  }
0xe7: {  	v11 =	vld [tilespmem:s31+$0x0];
	v3 =	vadd.f32 $4.000000000e+00, v3  }
0xe8: {  	v14 =	vld [tilespmem:s31+$0xFFFFFFC0];
	v4 =	vadd.f32 $4.000000000e+00, v4;
	v5 =	vadd.f32 $4.000000000e+00, v5  }
0xe9: {  	v17 =	vld [tilespmem:s31+$0xFFFFFFD0];
	v6 =	vadd.f32 $4.000000000e+00, v6;
	v7 =	vadd.f32 $4.000000000e+00, v7  }
0xea: {  	v8 =	vadd.f32 $4.000000000e+00, v8;
	v9 =	vadd.f32 $4.000000000e+00, v9  }
0xeb: {  	v10 =	vadd.f32 $4.000000000e+00, v10;
	v3 =	vmul.f32 $3.200000000e+01, v3;
	v4 =	vmul.f32 $3.200000000e+01, v4  }
0xec: {  	v11 =	vadd.f32 $4.000000000e+00, v11;
	v5 =	vmul.f32 $3.200000000e+01, v5;
	v6 =	vmul.f32 $3.200000000e+01, v6  }
0xed: {  	v14 =	vadd.f32 $4.000000000e+00, v14;
	v7 =	vmul.f32 $3.200000000e+01, v7;
	v8 =	vmul.f32 $3.200000000e+01, v8  }
0xee: {  	v17 =	vadd.f32 $4.000000000e+00, v17;
	v9 =	vmul.f32 $3.200000000e+01, v9;
	v10 =	vmul.f32 $3.200000000e+01, v10  }
0xef: {  	v11 =	vmul.f32 $3.200000000e+01, v11;
	v14 =	vmul.f32 $3.200000000e+01, v14  }
0xf0: {  	v17 =	vmul.f32 $3.200000000e+01, v17;
	v3 =	vmax.f32 v3, $0.0e+00;
	v4 =	vmax.f32 v4, $0.0e+00  }
0xf1: {  	v5 =	vmax.f32 v5, $0.0e+00;
	v6 =	vmax.f32 v6, $0.0e+00;
	v7 =	vmax.f32 v7, $0.0e+00  }
0xf2: {  	v8 =	vmax.f32 v8, $0.0e+00;
	v9 =	vmax.f32 v9, $0.0e+00;
	v10 =	vmax.f32 v10, $0.0e+00  }
0xf3: {  	v11 =	vmax.f32 v11, $0.0e+00;
	v3 =	vmin.f32 v3, $2.550000000e+02;
	v4 =	vmin.f32 v4, $2.550000000e+02  }
0xf4: {  	v5 =	vmin.f32 v5, $2.550000000e+02;
	v10 =	vmin.f32 v10, $2.550000000e+02;
	v6 =	vmin.f32 v6, $2.550000000e+02  }
0xf5: {  	v7 =	vmin.f32 v7, $2.550000000e+02;
	v3 =	vtrunc.f32 v3;
	v10 =	vtrunc.f32 v10  }
0xf6: {  	v12 =	vld [tilespmem:s31+$0xFFFFFFA0];
	v8 =	vmin.f32 v8, $2.550000000e+02;
	v4 =	vtrunc.f32 v4;
	v5 =	vtrunc.f32 v5  }
0xf7: {  	v19 =	vld [tilespmem:s31+$0xFFFFFFE0];
	v9 =	vmin.f32 v9, $2.550000000e+02;
	v6 =	vtrunc.f32 v6;
	v7 =	vtrunc.f32 v7  }
0xf8: {  	v13 =	vld [tilespmem:s31+$0xFFFFFFB0];
	v11 =	vmin.f32 v11, $2.550000000e+02;
	v8 =	vtrunc.f32 v8;
	v9 =	vtrunc.f32 v9  }
0xf9: {  	v11 =	vtrunc.f32 v11;
	v3 =	vcvt.f32.s32 v3  }
0xfa: {  	v10 =	vcvt.f32.s32 v10;
	v15 =	vcvt.f32.s32 v4  }
0xfb: {  	v18 =	vcvt.f32.s32 v5;
	v16 =	vadd.s32 v1, v3;
	v3 =	vcvt.f32.s32 v9;
	v9 =	vld [tilespmem:s31+$0xFFFFFF90]  }
0xfc: {  	v61 =	vadd.f32 $4.000000000e+00, v19;
	v5 =	vcvt.f32.s32 v7;
	v4 =	vcvt.f32.s32 v8;
	v8 =	vld [tilespmem:s31+$0xFFFFFFF0]  }
0xfd: {  	v7 =	vadd.f32 $4.000000000e+00, v12;
	v12 =	vadd.f32 $4.000000000e+00, v13;
	v10 =	vadd.s32 v1, v10  }
0xfe: {  	v6 =	vcvt.f32.s32 v6;
	v11 =	vcvt.f32.s32 v11;
	v13 =	vadd.s32 v1, v15  }
0xff: {  	v20 =	vmax.f32 v14, $0.0e+00;
	v7 =	vmul.f32 $3.200000000e+01, v7;
	v12 =	vmul.f32 $3.200000000e+01, v12  }
0x100: {  	v15 =	vadd.s32 v1, v18;
	v18 =	vmul.f32 $3.200000000e+01, v61;
	v9 =	vadd.f32 $4.000000000e+00, v9  }
0x101: {  	v62 =	vmax.f32 v7, $0.0e+00;
	v12 =	vmax.f32 v12, $0.0e+00;
	v8 =	vadd.f32 $4.000000000e+00, v8  }
0x102: {  	v7 =	vadd.s32 v1, v11;
	v12 =	vmin.f32 v12, $2.550000000e+02;
	[tilespmem:v10+s13+$0x0] =	vst.idx.add.f32.msk $0xffff, v2;
	v63 =	vmul.f32 $3.200000000e+01, v9  }
0x103: {  	v8 =	vmul.f32 $3.200000000e+01, v8;
	v10 =	vmax.f32 v17, $0.0e+00;
	[tilespmem:v13+s13+$0x0] =	vst.idx.add.f32.msk $0xffff, v2;
	v13 =	vmin.f32 v62, $2.550000000e+02  }
0x104: {  	[tilespmem:v16+s13+$0x0] =	vst.idx.add.f32.msk $0xffff, v2;
	v10 =	vmin.f32 v10, $2.550000000e+02;
	v9 =	vmax.f32 v18, $0.0e+00;
	v11 =	vmax.f32 v63, $0.0e+00  }
0x105: {  	s0 =	simm.s32 $0x80;
	s24 =	simm.s32 $0x2F0;
	[tilespmem:v15+s13+$0x0] =	vst.idx.add.f32.msk $0xffff, v2;
	v8 =	vmax.f32 v8, $0.0e+00;
	v14 =	vmin.f32 v11, $2.550000000e+02;
	v11 =	vmin.f32 v20, $2.550000000e+02  }
.LBB2_10:
0x106: {  	v15 =	vld [tilespmem:s24+$0x0];
	v14 =	vtrunc.f32 v14;
	v9 =	vmin.f32 v9, $2.550000000e+02;
	v8 =	vmin.f32 v8, $2.550000000e+02  }
0x107: {  	s0 =	sadd.s32 $0x80, s0;
	v13 =	vtrunc.f32 v13;
	v12 =	vtrunc.f32 v12;
	[tilespmem:v7+s13+$0x0] =	vst.idx.add.f32.msk $0xffff, v2;
	v7 =	vadd.s32 v1, v6  }
0x108: {  	v10 =	vtrunc.f32 v10;
	p0 =	slt.u32 s0, $0x3F80;
	v6 =	vtrunc.f32 v11;
	v11 =	vadd.s32 v1, v5;
	v16 =	vld [tilespmem:s24+$0xFFFFFFA0]  }
0x109: {  	v18 =	vadd.s32 v1, v4;
	v9 =	vtrunc.f32 v9;
	v8 =	vtrunc.f32 v8;
	v17 =	vld [tilespmem:s24+$0xFFFFFFB0]  }
0x10a: {  	v20 =	vadd.s32 v1, v3;
	v14 =	vcvt.f32.s32 v14;
	v13 =	vcvt.f32.s32 v13;
	v19 =	vld [tilespmem:s24+$0xFFFFFFC0]  }
0x10b: {  	v12 =	vcvt.f32.s32 v12;
	v6 =	vcvt.f32.s32 v6;
	v21 =	vld [tilespmem:s24+$0xFFFFFFD0]  }
0x10c: {  	v5 =	vcvt.f32.s32 v10;
	v4 =	vcvt.f32.s32 v9;
	v15 =	vadd.f32 $4.000000000e+00, v15;
	v22 =	vld [tilespmem:s24+$0xFFFFFFE0]  }
0x10d: {  	v3 =	vcvt.f32.s32 v8;
	v14 =	vadd.s32 v1, v14;
	v9 =	vadd.f32 $4.000000000e+00, v16;
	v10 =	vld [tilespmem:s24+$0xFFFFFFF0]  }
0x10e: {  	v13 =	vadd.s32 v1, v13;
	v15 =	vmul.f32 $3.200000000e+01, v15;
	v8 =	vld [tilespmem:s24+$0xFFFFFF90];
	v16 =	vadd.f32 $4.000000000e+00, v17  }
0x10f: {  	v12 =	vadd.s32 v1, v12;
	v9 =	vmul.f32 $3.200000000e+01, v9;
	v17 =	vadd.f32 $4.000000000e+00, v19;
	[tilespmem:v7+s13+$0x0] =	vst.idx.add.f32.msk $0xffff, v2  }
0x110: {  	v15 =	vmax.f32 v15, $0.0e+00;
	v7 =	vmul.f32 $3.200000000e+01, v16;
	v16 =	vadd.f32 $4.000000000e+00, v21;
	[tilespmem:v11+s13+$0x0] =	vst.idx.add.f32.msk $0xffff, v2  }
0x111: {  	v15 =	vmin.f32 v15, $2.550000000e+02;
	v11 =	vmul.f32 $3.200000000e+01, v17;
	v17 =	vadd.f32 $4.000000000e+00, v22;
	[tilespmem:v18+s13+$0x0] =	vst.idx.add.f32.msk $0xffff, v2  }
0x112: {  	v15 =	vtrunc.f32 v15;
	v16 =	vmul.f32 $3.200000000e+01, v16;
	v10 =	vadd.f32 $4.000000000e+00, v10;
	[tilespmem:v14+s13+$0x0] =	vst.idx.add.f32.msk $0xffff, v2  }
0x113: {  	v15 =	vcvt.f32.s32 v15;
	v8 =	vadd.f32 $4.000000000e+00, v8;
	v14 =	vmul.f32 $3.200000000e+01, v17;
	[tilespmem:v13+s13+$0x0] =	vst.idx.add.f32.msk $0xffff, v2  }
.Ltmp3:
0x114: {  	v13 =	vmax.f32 v9, $0.0e+00;
	v17 =	vmax.f32 v7, $0.0e+00;
	v10 =	vmul.f32 $3.200000000e+01, v10;
	[tilespmem:v12+s13+$0x0] =	vst.idx.add.f32.msk $0xffff, v2;
	(pc) =	sbr.rel @p0 .LBB2_10-.Ltmp3, $4  }
0x115: {  	v11 =	vmax.f32 v11, $0.0e+00;
	v7 =	vadd.s32 v1, v15;
	v12 =	vmul.f32 $3.200000000e+01, v8;
	[tilespmem:v20+s13+$0x0] =	vst.idx.add.f32.msk $0xffff, v2  }
0x116: {  	v15 =	vmax.f32 v16, $0.0e+00;
	v9 =	vmax.f32 v14, $0.0e+00;
	v8 =	vmax.f32 v10, $0.0e+00  }
0x117: {  	v13 =	vmin.f32 v13, $2.550000000e+02;
	v10 =	vmax.f32 v12, $0.0e+00;
	v12 =	vmin.f32 v17, $2.550000000e+02  }
0x118: {  	s24 =	sadd.s32 $0x100, s24;
	v11 =	vmin.f32 v11, $2.550000000e+02;
	v14 =	vmin.f32 v10, $2.550000000e+02;
	v10 =	vmin.f32 v15, $2.550000000e+02  }
0x119: {  	v14 =	vtrunc.f32 v14;
	v6 =	vadd.s32 v1, v6  }
0x11a: {  	v13 =	vtrunc.f32 v13;
	v5 =	vadd.s32 v1, v5;
	v12 =	vtrunc.f32 v12  }
0x11b: {  	v4 =	vadd.s32 v1, v4;
	v9 =	vmin.f32 v9, $2.550000000e+02;
	v14 =	vcvt.f32.s32 v14  }
0x11c: {  	v8 =	vmin.f32 v8, $2.550000000e+02;
	v3 =	vadd.s32 v1, v3;
	v13 =	vcvt.f32.s32 v13  }
0x11d: {  	[tilespmem:v7+s13+$0x0] =	vst.idx.add.f32.msk $0xffff, v2;
	v7 =	vtrunc.f32 v11;
	v12 =	vcvt.f32.s32 v12;
	v14 =	vadd.s32 v1, v14  }
0x11e: {  	v10 =	vtrunc.f32 v10;
	v7 =	vcvt.f32.s32 v7;
	v11 =	vadd.s32 v1, v13;
	[tilespmem:v6+s13+$0x0] =	vst.idx.add.f32.msk $0xffff, v2  }
0x11f: {  	v12 =	vadd.s32 v1, v12;
	v6 =	vtrunc.f32 v9;
	v9 =	vcvt.f32.s32 v10;
	[tilespmem:v5+s13+$0x0] =	vst.idx.add.f32.msk $0xffff, v2  }
0x120: {  	v5 =	vtrunc.f32 v8;
	[tilespmem:v4+s13+$0x0] =	vst.idx.add.f32.msk $0xffff, v2;
	v4 =	vadd.s32 v1, v7;
	v6 =	vcvt.f32.s32 v6  }
0x121: {  	[tilespmem:v3+s13+$0x0] =	vst.idx.add.f32.msk $0xffff, v2;
	v5 =	vcvt.f32.s32 v5;
	v7 =	vadd.s32 v1, v9  }
0x122: {  	[tilespmem:v14+s13+$0x0] =	vst.idx.add.f32.msk $0xffff, v2;
	v6 =	vadd.s32 v1, v6  }
0x123: {  	[tilespmem:v11+s13+$0x0] =	vst.idx.add.f32.msk $0xffff, v2;
	v5 =	vadd.s32 v1, v5  }
0x124: {  	[tilespmem:v12+s13+$0x0] =	vst.idx.add.f32.msk $0xffff, v2  }
0x125: {  	[tilespmem:v4+s13+$0x0] =	vst.idx.add.f32.msk $0xffff, v2  }
0x126: {  	[tilespmem:v7+s13+$0x0] =	vst.idx.add.f32.msk $0xffff, v2  }
0x127: {  	[tilespmem:v6+s13+$0x0] =	vst.idx.add.f32.msk $0xffff, v2  }
0x128: {  	s0 =	simm.s32 $0x10810;
	[tilespmem:v5+s13+$0x0] =	vst.idx.add.f32.msk $0xffff, v2  }
0x129: {  	v4 =	vld [tilespmem:s0+$0xFFFFFA00]  }
0x12a: {  	v5 =	vld [tilespmem:s0+$0xFFFFF900]  }
0x12b: {  	v6 =	vld [tilespmem:s0+$0xFFFFF7F0]  }
0x12c: {  	v7 =	vld [tilespmem:s0+$0xFFFFF800]  }
0x12d: {  	v9 =	vld [tilespmem:s0+$0x700]  }
0x12e: {  	s25 =	simm.s32 $0x0;
	v11 =	vld [tilespmem:s0+$0xFFFFFB00]  }
0x12f: {  	s28 =	sand.u32 $0xE0, s25;
	[tilespmem:s0+$0xFFFFF7F0] =	vst v0;
	v63 =	vld [tilespmem:s0+$0x600]  }
0x130: {  	v8 =	vld [tilespmem:s28+$0x10100]  }
0x131: {  	v10 =	vld [tilespmem:s28+$0x10200]  }
0x132: {  	[tilespmem:s0+$0x700] =	vst v0;
	v12 =	vld [tilespmem:s28+$0x10300]  }
0x133: {  	[tilespmem:s0+$0xFFFFFA00] =	vst v0;
	v60 =	vld [tilespmem:s28+$0x10600]  }
0x134: {  	[tilespmem:s0+$0xFFFFFB00] =	vst v0;
	v61 =	vld [tilespmem:s28+$0x10900];
	v5 =	vadd.f32 v5, v7  }
0x135: {  	[tilespmem:s0+$0xFFFFF900] =	vst v0;
	v7 =	vld [tilespmem:s0+$0xFFFFFC00];
	v6 =	vadd.f32 v8, v6  }
0x136: {  	[tilespmem:s0+$0x600] =	vst v0;
	v8 =	vld [tilespmem:s28+$0x10400];
	v4 =	vadd.f32 v4, v5  }
0x137: {  	[tilespmem:s0+$0xFFFFF800] =	vst v0;
	v5 =	vld [tilespmem:s0+$0xFFFFFD00];
	v6 =	vadd.f32 v10, v6  }
0x138: {  	[tilespmem:s28+$0x10200] =	vst v0;
	v10 =	vld [tilespmem:s28+$0x10500];
	v4 =	vadd.f32 v11, v4  }
0x139: {  	[tilespmem:s28+$0x10300] =	vst v0;
	v11 =	vld [tilespmem:s0+$0xFFFFFE00];
	v6 =	vadd.f32 v12, v6  }
0x13a: {  	[tilespmem:s28+$0x10100] =	vst v0;
	v62 =	vld [tilespmem:s28+$0x10C00];
	v4 =	vadd.f32 v7, v4  }
0x13b: {  	[tilespmem:s28+$0x10600] =	vst v0;
	v7 =	vld [tilespmem:s0+$0xFFFFFF00];
	v6 =	vadd.f32 v8, v6  }
0x13c: {  	[tilespmem:s28+$0x10900] =	vst v0;
	v8 =	vld [tilespmem:s28+$0x10700];
	v4 =	vadd.f32 v5, v4  }
0x13d: {  	[tilespmem:s28+$0x10C00] =	vst v0;
	v5 =	vld [tilespmem:s0+$0x0];
	v6 =	vadd.f32 v10, v6  }
0x13e: {  	[tilespmem:s0+$0xFFFFFC00] =	vst v0;
	v10 =	vld [tilespmem:s28+$0x10800];
	v4 =	vadd.f32 v11, v4  }
0x13f: {  	[tilespmem:s28+$0x10400] =	vst v0;
	v11 =	vld [tilespmem:s0+$0x100];
	v6 =	vadd.f32 v60, v6  }
0x140: {  	[tilespmem:s0+$0xFFFFFD00] =	vst v0;
	v4 =	vadd.f32 v7, v4  }
0x141: {  	[tilespmem:s28+$0x10500] =	vst v0;
	v7 =	vld [tilespmem:s0+$0x200];
	v6 =	vadd.f32 v8, v6  }
0x142: {  	[tilespmem:s0+$0xFFFFFE00] =	vst v0;
	v8 =	vld [tilespmem:s28+$0x10A00];
	v4 =	vadd.f32 v5, v4  }
0x143: {  	[tilespmem:s0+$0xFFFFFF00] =	vst v0;
	v5 =	vld [tilespmem:s0+$0x300];
	v6 =	vadd.f32 v10, v6  }
0x144: {  	[tilespmem:s28+$0x10700] =	vst v0;
	v10 =	vld [tilespmem:s28+$0x10B00];
	v4 =	vadd.f32 v11, v4  }
0x145: {  	[tilespmem:s0+$0x0] =	vst v0;
	v11 =	vld [tilespmem:s0+$0x400];
	v6 =	vadd.f32 v61, v6  }
0x146: {  	[tilespmem:s28+$0x10800] =	vst v0;
	v4 =	vadd.f32 v7, v4  }
0x147: {  	[tilespmem:s0+$0x100] =	vst v0;
	v7 =	vld [tilespmem:s0+$0x500];
	v6 =	vadd.f32 v8, v6  }
0x148: {  	[tilespmem:s0+$0x200] =	vst v0;
	v8 =	vld [tilespmem:s28+$0x10D00];
	v4 =	vadd.f32 v5, v4  }
0x149: {  	[tilespmem:s28+$0x10A00] =	vst v0;
	v5 =	vadd.f32 v10, v6  }
0x14a: {  	[tilespmem:s0+$0x300] =	vst v0;
	v6 =	vld [tilespmem:s28+$0x10E00];
	v4 =	vadd.f32 v11, v4  }
0x14b: {  	[tilespmem:s28+$0x10B00] =	vst v0;
	v5 =	vadd.f32 v62, v5  }
0x14c: {  	s1 =	sor.u32 $0x80, s22;
	s26 =	simm.s32 $0x10830;
	[tilespmem:s0+$0x400] =	vst v0;
	v10 =	vld [tilespmem:s28+$0x10F00];
	v7 =	vadd.f32 v7, v4  }
0x14d: {  	v3 =	vmov s1;
	[tilespmem:s28+$0x10D00] =	vst v0;
	v4 =	vld [tilespmem:s26+$0xFFFFFA00];
	v8 =	vadd.f32 v8, v5  }
0x14e: {  	s24 =	simm.s32 $0x0;
	[tilespmem:s28+$0x10F00] =	vst v0;
	v5 =	vld [tilespmem:s26+$0x700];
	v11 =	vadd.f32 v63, v7  }
0x14f: {  	s1 =	sand.u32 $0x400, s24;
	[tilespmem:s28+$0x10E00] =	vst v0;
	s28 =	simm.s32 $0x10;
	v7 =	vld [tilespmem:s26+$0xFFFFF900];
	v6 =	vadd.f32 v6, v8  }
0x150: {  	s30 =	simm.s32 $0x20;
	s1 =	sadd.s32 s1, s21;
	[tilespmem:s0+$0x500] =	vst v0;
	s29 =	sand.u32 $0x70, s28;
	v8 =	vld [tilespmem:s26+$0xFFFFF7F0];
	v11 =	vadd.f32 v9, v11  }
0x151: {  	s0 =	sand.u32 $0x60, s25;
	s28 =	sand.u32 $0xE0, s30;
	s29 =	sadd.s32 s29, s1;
	[tilespmem:s26+$0xFFFFF7F0] =	vst v0;
	v9 =	vld [tilespmem:s26+$0xFFFFF800];
	v6 =	vadd.f32 v10, v6  }
0x152: {  	s31 =	simm.s32 $0x10850;
	s0 =	sadd.s32 s0, s1;
	v10 =	vld [tilespmem:s28+$0x10100];
	[tilespmem:v3+s29+$0x0 ss:$0x1] =	vst.idx.msk $0xffff, v11;
	s29 =	simm.s32 $0x20  }
.LBB2_12:
0x153: {  	v11 =	vld [tilespmem:s31+$0xFFFFFA00];
	[tilespmem:v3+s0+$0x0 ss:$0x1] =	vst.idx.msk $0xffff, v6;
	s24 =	sadd.s32 $0x100, s24;
	v6 =	vmov v5;
	s0 =	smov.u32 s30;
	s30 =	sadd.s32 $0x20, s30  }
0x154: {  	p0 =	slt.u32 s30, $0xE0;
	v5 =	vld [tilespmem:s28+$0x10200];
	[tilespmem:s26+$0x700] =	vst v0  }
0x155: {  	[tilespmem:s28+$0x10200] =	vst v0;
	v12 =	vld [tilespmem:s26+$0xFFFFFB00]  }
0x156: {  	v13 =	vld [tilespmem:s28+$0x10300];
	v7 =	vadd.f32 v7, v9;
	[tilespmem:s26+$0xFFFFFA00] =	vst v0  }
0x157: {  	v8 =	vadd.f32 v10, v8;
	[tilespmem:s28+$0x10300] =	vst v0;
	v9 =	vld [tilespmem:s26+$0xFFFFFC00]  }
0x158: {  	[tilespmem:s28+$0x10100] =	vst v0;
	v10 =	vld [tilespmem:s28+$0x10400];
	v7 =	vadd.f32 v4, v7;
	v4 =	vmov v11  }
0x159: {  	v5 =	vadd.f32 v5, v8;
	[tilespmem:s28+$0x10400] =	vst v0;
	v8 =	vld [tilespmem:s26+$0xFFFFFD00]  }
0x15a: {  	v11 =	vld [tilespmem:s28+$0x10500];
	v7 =	vadd.f32 v12, v7;
	[tilespmem:s26+$0xFFFFFB00] =	vst v0  }
0x15b: {  	v5 =	vadd.f32 v13, v5;
	[tilespmem:s28+$0x10500] =	vst v0;
	v12 =	vld [tilespmem:s26+$0xFFFFFE00]  }
0x15c: {  	v13 =	vld [tilespmem:s28+$0x10600];
	v7 =	vadd.f32 v9, v7;
	[tilespmem:s26+$0xFFFFFC00] =	vst v0  }
0x15d: {  	v5 =	vadd.f32 v10, v5;
	[tilespmem:s28+$0x10600] =	vst v0;
	v9 =	vld [tilespmem:s26+$0xFFFFFF00]  }
0x15e: {  	v10 =	vld [tilespmem:s28+$0x10700];
	v7 =	vadd.f32 v8, v7;
	[tilespmem:s26+$0xFFFFFD00] =	vst v0  }
0x15f: {  	v5 =	vadd.f32 v11, v5;
	[tilespmem:s28+$0x10700] =	vst v0;
	v8 =	vld [tilespmem:s26+$0x0]  }
0x160: {  	v11 =	vld [tilespmem:s28+$0x10800];
	v7 =	vadd.f32 v12, v7;
	[tilespmem:s26+$0xFFFFFE00] =	vst v0  }
0x161: {  	v5 =	vadd.f32 v13, v5;
	[tilespmem:s28+$0x10800] =	vst v0;
	v12 =	vld [tilespmem:s26+$0x100]  }
0x162: {  	v13 =	vld [tilespmem:s28+$0x10900];
	v7 =	vadd.f32 v9, v7;
	[tilespmem:s26+$0x0] =	vst v0  }
0x163: {  	v5 =	vadd.f32 v10, v5;
	[tilespmem:s28+$0x10900] =	vst v0;
	v9 =	vld [tilespmem:s26+$0x200]  }
0x164: {  	v10 =	vld [tilespmem:s28+$0x10A00];
	v7 =	vadd.f32 v8, v7;
	[tilespmem:s26+$0x100] =	vst v0  }
0x165: {  	v5 =	vadd.f32 v11, v5;
	[tilespmem:s26+$0x200] =	vst v0;
	v8 =	vld [tilespmem:s26+$0x300]  }
0x166: {  	v11 =	vld [tilespmem:s28+$0x10B00];
	v7 =	vadd.f32 v12, v7;
	[tilespmem:s26+$0x300] =	vst v0  }
0x167: {  	v5 =	vadd.f32 v13, v5;
	[tilespmem:s28+$0x10B00] =	vst v0;
	v12 =	vld [tilespmem:s26+$0x400]  }
0x168: {  	v13 =	vld [tilespmem:s28+$0x10C00];
	v7 =	vadd.f32 v9, v7;
	[tilespmem:s26+$0x400] =	vst v0  }
0x169: {  	v5 =	vadd.f32 v10, v5;
	[tilespmem:s26+$0xFFFFFF00] =	vst v0;
	v9 =	vld [tilespmem:s26+$0x500]  }
0x16a: {  	v10 =	vld [tilespmem:s28+$0x10D00];
	v7 =	vadd.f32 v8, v7;
	[tilespmem:s26+$0x500] =	vst v0  }
0x16b: {  	v5 =	vadd.f32 v11, v5;
	[tilespmem:s26+$0xFFFFF900] =	vst v0;
	v8 =	vld [tilespmem:s26+$0x600]  }
0x16c: {  	v11 =	vld [tilespmem:s28+$0x10E00];
	v7 =	vadd.f32 v12, v7;
	[tilespmem:s26+$0x600] =	vst v0  }
0x16d: {  	[tilespmem:s28+$0x10A00] =	vst v0;
	v5 =	vadd.f32 v13, v5;
	v12 =	vld [tilespmem:s28+$0x10F00]  }
0x16e: {  	[tilespmem:s28+$0x10F00] =	vst v0;
	v7 =	vadd.f32 v9, v7  }
0x16f: {  	v9 =	vadd.f32 v10, v5;
	[tilespmem:s28+$0x10E00] =	vst v0  }
.Ltmp4:
0x170: {  	v5 =	vld [tilespmem:s31+$0x700];
	[tilespmem:s28+$0x10D00] =	vst v0;
	v10 =	vadd.f32 v8, v7;
	(pc) =	sbr.rel @p0 .LBB2_12-.Ltmp4, $4  }
0x171: {  	s1 =	sand.u32 $0x400, s24;
	v7 =	vld [tilespmem:s31+$0xFFFFF900];
	[tilespmem:s28+$0x10C00] =	vst v0;
	v11 =	vadd.f32 v11, v9;
	s28 =	sadd.s32 $0x30, s25;
	s25 =	smov.u32 s0  }
0x172: {  	s0 =	sadd.s32 s1, s21;
	v8 =	vld [tilespmem:s31+$0xFFFFF7F0];
	s1 =	sand.u32 $0x70, s28;
	[tilespmem:s26+$0xFFFFF800] =	vst v0;
	v13 =	vadd.f32 v6, v10;
	s26 =	smov.u32 s31  }
0x173: {  	s29 =	sand.u32 $0x60, s29;
	s28 =	sand.u32 $0xE0, s30;
	[tilespmem:s31+$0xFFFFF7F0] =	vst v0;
	v9 =	vld [tilespmem:s31+$0xFFFFF800];
	v6 =	vadd.f32 v12, v11;
	s1 =	sadd.s32 s1, s0  }
0x174: {  	s31 =	sadd.s32 $0x20, s31;
	s0 =	sadd.s32 s29, s0;
	s29 =	smov.u32 s30;
	v10 =	vld [tilespmem:s28+$0x10100];
	[tilespmem:v3+s1+$0x0 ss:$0x1] =	vst.idx.msk $0xffff, v13  }
0x175: {  	v11 =	vld [tilespmem:s28+$0x10200]  }
0x176: {  	[tilespmem:s26+$0x700] =	vst v0;
	v12 =	vld [tilespmem:s26+$0xFFFFFB00]  }
0x177: {  	[tilespmem:s28+$0x10200] =	vst v0;
	v13 =	vld [tilespmem:s28+$0x10300]  }
0x178: {  	[tilespmem:s26+$0xFFFFFA00] =	vst v0;
	v14 =	vld [tilespmem:s26+$0xFFFFFC00];
	v7 =	vadd.f32 v7, v9  }
0x179: {  	[tilespmem:s28+$0x10300] =	vst v0;
	v15 =	vld [tilespmem:s28+$0x10400];
	v8 =	vadd.f32 v10, v8  }
0x17a: {  	[tilespmem:v3+s0+$0x0 ss:$0x1] =	vst.idx.msk $0xffff, v6;
	v6 =	vld [tilespmem:s28+$0x10E00];
	v4 =	vadd.f32 v4, v7  }
0x17b: {  	[tilespmem:s28+$0x10100] =	vst v0;
	v9 =	vld [tilespmem:s26+$0xFFFFFD00];
	v8 =	vadd.f32 v11, v8  }
0x17c: {  	[tilespmem:s28+$0x10400] =	vst v0;
	v10 =	vld [tilespmem:s28+$0x10500];
	v4 =	vadd.f32 v12, v4  }
0x17d: {  	[tilespmem:s26+$0xFFFFFB00] =	vst v0;
	v7 =	vld [tilespmem:s26+$0xFFFFFE00];
	v8 =	vadd.f32 v13, v8  }
0x17e: {  	[tilespmem:s26+$0xFFFFFC00] =	vst v0;
	v11 =	vld [tilespmem:s28+$0x10600];
	v4 =	vadd.f32 v14, v4  }
0x17f: {  	[tilespmem:s26+$0xFFFFF900] =	vst v0;
	v12 =	vld [tilespmem:s26+$0xFFFFFF00];
	v8 =	vadd.f32 v15, v8  }
0x180: {  	[tilespmem:s28+$0x10E00] =	vst v0;
	v13 =	vld [tilespmem:s28+$0x10700];
	v4 =	vadd.f32 v9, v4  }
0x181: {  	[tilespmem:s26+$0xFFFFF800] =	vst v0;
	v14 =	vld [tilespmem:s26+$0x0];
	v8 =	vadd.f32 v10, v8  }
0x182: {  	[tilespmem:s26+$0xFFFFFD00] =	vst v0;
	v15 =	vld [tilespmem:s28+$0x10800];
	v4 =	vadd.f32 v7, v4  }
0x183: {  	[tilespmem:s28+$0x10500] =	vst v0;
	v9 =	vld [tilespmem:s26+$0x100];
	v8 =	vadd.f32 v11, v8  }
0x184: {  	[tilespmem:s26+$0xFFFFFE00] =	vst v0;
	v10 =	vld [tilespmem:s28+$0x10900];
	v4 =	vadd.f32 v12, v4  }
0x185: {  	[tilespmem:s28+$0x10600] =	vst v0;
	v7 =	vld [tilespmem:s26+$0x200];
	v8 =	vadd.f32 v13, v8  }
0x186: {  	[tilespmem:s26+$0xFFFFFF00] =	vst v0;
	v11 =	vld [tilespmem:s28+$0x10A00];
	v4 =	vadd.f32 v14, v4  }
0x187: {  	[tilespmem:s28+$0x10700] =	vst v0;
	v12 =	vld [tilespmem:s26+$0x300];
	v8 =	vadd.f32 v15, v8  }
0x188: {  	[tilespmem:s26+$0x0] =	vst v0;
	v13 =	vld [tilespmem:s28+$0x10B00];
	v4 =	vadd.f32 v9, v4  }
0x189: {  	[tilespmem:s28+$0x10800] =	vst v0;
	v14 =	vld [tilespmem:s26+$0x400];
	v8 =	vadd.f32 v10, v8  }
0x18a: {  	[tilespmem:s26+$0x100] =	vst v0;
	v9 =	vld [tilespmem:s28+$0x10C00];
	v4 =	vadd.f32 v7, v4  }
0x18b: {  	[tilespmem:s28+$0x10900] =	vst v0;
	v7 =	vld [tilespmem:s26+$0x500];
	v8 =	vadd.f32 v11, v8  }
0x18c: {  	[tilespmem:s26+$0x200] =	vst v0;
	v10 =	vld [tilespmem:s28+$0x10D00];
	v4 =	vadd.f32 v12, v4  }
0x18d: {  	[tilespmem:s28+$0x10A00] =	vst v0;
	v11 =	vld [tilespmem:s26+$0x600];
	v8 =	vadd.f32 v13, v8  }
0x18e: {  	[tilespmem:s26+$0x300] =	vst v0;
	v4 =	vadd.f32 v14, v4  }
0x18f: {  	[tilespmem:s28+$0x10B00] =	vst v0;
	v8 =	vadd.f32 v9, v8  }
0x190: {  	[tilespmem:s26+$0x400] =	vst v0;
	v9 =	vld [tilespmem:s28+$0x10F00];
	v4 =	vadd.f32 v7, v4  }
0x191: {  	s24 =	sadd.s32 $0x100, s24;
	[tilespmem:s28+$0x10C00] =	vst v0;
	v7 =	vadd.f32 v10, v8  }
0x192: {  	s1 =	sadd.s32 $0x30, s25;
	s23 =	smin.u32 s23, $0x3D;
	s30 =	sand.u32 $0x60, s29;
	[tilespmem:s28+$0x10D00] =	vst v0;
	v4 =	vadd.f32 v11, v4  }
0x193: {  	s0 =	sand.u32 $0x400, s24;
	s1 =	sand.u32 $0x70, s1;
	s23 =	sadd.s32 $0x2, s23;
	[tilespmem:s26+$0x500] =	vst v0;
	v6 =	vadd.f32 v6, v7  }
0x194: {  	s0 =	sadd.s32 s0, s21;
	s31 =	sshll.u32 s23, $0xC;
	s23 =	sshll.u32 s23, $0x5;
	[tilespmem:s26+$0x600] =	vst v0;
	v4 =	vadd.f32 v5, v4  }
0x195: {  	s1 =	sadd.s32 s1, s0;
	s25 =	sadd.s32 s4, s31;
	s23 =	sand.u32 $0x60, s23;
	[tilespmem:s28+$0x10F00] =	vst v0;
	v5 =	vadd.f32 v9, v6  }
0x196: {  	s0 =	sadd.s32 s30, s0;
	s23 =	sadd.s32 s2, s23;
	s28 =	sand.u32 $0xFFC000, s25;
	[tilespmem:v3+s1+$0x0 ss:$0x1] =	vst.idx.msk $0xffff, v4  }
0x197: {  	s29 =	sadd.s32 s28, s23;
	[tilespmem:v3+s0+$0x0 ss:$0x1] =	vst.idx.msk $0xffff, v5  }
0x198: {  	[tilespmem:s3], [sflag:$0x1] =	stream.strided.gather [hbm4b:s29+s9], $0x8000, s10, s9, $0x38;
	[tilespmem:$0x12000] =	vst v63  }
0x199: {  	_ =	swait.ge [sflag:s14], $0x8000  }
0x19a: {  	[sflag:s14] =	ssyncset.done $0x0  }
0x19b: {  	s30 =	simm.s32 $0x8040;
	[sflag:s14] =	ssyncadd.s32 $0xFFFF8000  }
0x19c: {  	v3 =	vld [tilespmem:s30+$0x30]  }
0x19d: {  	v4 =	vld [tilespmem:s30+$0xFFFFFFD0]  }
0x19e: {  	v5 =	vld [tilespmem:s30+$0xFFFFFFE0]  }
0x19f: {  	v6 =	vld [tilespmem:s30+$0xFFFFFFF0]  }
0x1a0: {  	v7 =	vld [tilespmem:s30+$0x0]  }
0x1a1: {  	v8 =	vld [tilespmem:s30+$0x10]  }
0x1a2: {  	v9 =	vld [tilespmem:s30+$0x20]  }
0x1a3: {  	s31 =	simm.s32 $0x8140;
	v10 =	vld [tilespmem:s30+$0xFFFFFFC0]  }
0x1a4: {  	v11 =	vld [tilespmem:s31+$0x30];
	v3 =	vadd.f32 $4.000000000e+00, v3  }
0x1a5: {  	v14 =	vld [tilespmem:s31+$0xFFFFFFF0];
	v4 =	vadd.f32 $4.000000000e+00, v4;
	v5 =	vadd.f32 $4.000000000e+00, v5  }
0x1a6: {  	v17 =	vld [tilespmem:s31+$0x0];
	v6 =	vadd.f32 $4.000000000e+00, v6;
	v7 =	vadd.f32 $4.000000000e+00, v7  }
0x1a7: {  	v8 =	vadd.f32 $4.000000000e+00, v8;
	v9 =	vadd.f32 $4.000000000e+00, v9  }
0x1a8: {  	v10 =	vadd.f32 $4.000000000e+00, v10;
	v3 =	vmul.f32 $3.200000000e+01, v3;
	v4 =	vmul.f32 $3.200000000e+01, v4  }
0x1a9: {  	v11 =	vadd.f32 $4.000000000e+00, v11;
	v5 =	vmul.f32 $3.200000000e+01, v5;
	v6 =	vmul.f32 $3.200000000e+01, v6  }
0x1aa: {  	v14 =	vadd.f32 $4.000000000e+00, v14;
	v7 =	vmul.f32 $3.200000000e+01, v7;
	v8 =	vmul.f32 $3.200000000e+01, v8  }
0x1ab: {  	v17 =	vadd.f32 $4.000000000e+00, v17;
	v9 =	vmul.f32 $3.200000000e+01, v9;
	v10 =	vmul.f32 $3.200000000e+01, v10  }
0x1ac: {  	v11 =	vmul.f32 $3.200000000e+01, v11;
	v14 =	vmul.f32 $3.200000000e+01, v14  }
0x1ad: {  	v17 =	vmul.f32 $3.200000000e+01, v17;
	v3 =	vmax.f32 v3, $0.0e+00;
	v4 =	vmax.f32 v4, $0.0e+00  }
0x1ae: {  	v5 =	vmax.f32 v5, $0.0e+00;
	v6 =	vmax.f32 v6, $0.0e+00;
	v7 =	vmax.f32 v7, $0.0e+00  }
0x1af: {  	v8 =	vmax.f32 v8, $0.0e+00;
	v9 =	vmax.f32 v9, $0.0e+00;
	v10 =	vmax.f32 v10, $0.0e+00  }
0x1b0: {  	v11 =	vmax.f32 v11, $0.0e+00;
	v3 =	vmin.f32 v3, $2.550000000e+02;
	v4 =	vmin.f32 v4, $2.550000000e+02  }
0x1b1: {  	v5 =	vmin.f32 v5, $2.550000000e+02;
	v10 =	vmin.f32 v10, $2.550000000e+02;
	v6 =	vmin.f32 v6, $2.550000000e+02  }
0x1b2: {  	v7 =	vmin.f32 v7, $2.550000000e+02;
	v3 =	vtrunc.f32 v3;
	v10 =	vtrunc.f32 v10  }
0x1b3: {  	v12 =	vld [tilespmem:s31+$0xFFFFFFD0];
	v8 =	vmin.f32 v8, $2.550000000e+02;
	v4 =	vtrunc.f32 v4;
	v5 =	vtrunc.f32 v5  }
0x1b4: {  	v19 =	vld [tilespmem:s31+$0x10];
	v9 =	vmin.f32 v9, $2.550000000e+02;
	v6 =	vtrunc.f32 v6;
	v7 =	vtrunc.f32 v7  }
0x1b5: {  	v13 =	vld [tilespmem:s31+$0xFFFFFFE0];
	v11 =	vmin.f32 v11, $2.550000000e+02;
	v8 =	vtrunc.f32 v8;
	v9 =	vtrunc.f32 v9  }
0x1b6: {  	v11 =	vtrunc.f32 v11;
	v3 =	vcvt.f32.s32 v3  }
0x1b7: {  	v10 =	vcvt.f32.s32 v10;
	v15 =	vcvt.f32.s32 v4  }
0x1b8: {  	v18 =	vcvt.f32.s32 v5;
	v16 =	vadd.s32 v1, v3;
	v3 =	vcvt.f32.s32 v9;
	v9 =	vld [tilespmem:s31+$0xFFFFFFC0]  }
0x1b9: {  	v61 =	vadd.f32 $4.000000000e+00, v19;
	v5 =	vcvt.f32.s32 v7;
	v4 =	vcvt.f32.s32 v8;
	v8 =	vld [tilespmem:s31+$0x20]  }
0x1ba: {  	v7 =	vadd.f32 $4.000000000e+00, v12;
	v12 =	vadd.f32 $4.000000000e+00, v13;
	v10 =	vadd.s32 v1, v10  }
0x1bb: {  	v6 =	vcvt.f32.s32 v6;
	v11 =	vcvt.f32.s32 v11;
	v13 =	vadd.s32 v1, v15  }
0x1bc: {  	v20 =	vmax.f32 v14, $0.0e+00;
	v7 =	vmul.f32 $3.200000000e+01, v7;
	v12 =	vmul.f32 $3.200000000e+01, v12  }
0x1bd: {  	v15 =	vadd.s32 v1, v18;
	v18 =	vmul.f32 $3.200000000e+01, v61;
	v9 =	vadd.f32 $4.000000000e+00, v9  }
0x1be: {  	v62 =	vmax.f32 v7, $0.0e+00;
	v12 =	vmax.f32 v12, $0.0e+00;
	v8 =	vadd.f32 $4.000000000e+00, v8  }
0x1bf: {  	v7 =	vadd.s32 v1, v11;
	v12 =	vmin.f32 v12, $2.550000000e+02;
	[tilespmem:v10+s13+$0x0] =	vst.idx.add.f32.msk $0xffff, v2;
	v63 =	vmul.f32 $3.200000000e+01, v9  }
0x1c0: {  	v8 =	vmul.f32 $3.200000000e+01, v8;
	v10 =	vmax.f32 v17, $0.0e+00;
	[tilespmem:v13+s13+$0x0] =	vst.idx.add.f32.msk $0xffff, v2;
	v13 =	vmin.f32 v62, $2.550000000e+02  }
0x1c1: {  	[tilespmem:v16+s13+$0x0] =	vst.idx.add.f32.msk $0xffff, v2;
	v10 =	vmin.f32 v10, $2.550000000e+02;
	v9 =	vmax.f32 v18, $0.0e+00;
	v11 =	vmax.f32 v63, $0.0e+00  }
0x1c2: {  	s23 =	simm.s32 $0x8240;
	s0 =	simm.s32 $0x80;
	[tilespmem:v15+s13+$0x0] =	vst.idx.add.f32.msk $0xffff, v2;
	v8 =	vmax.f32 v8, $0.0e+00;
	v14 =	vmin.f32 v11, $2.550000000e+02;
	v11 =	vmin.f32 v20, $2.550000000e+02  }
.LBB2_14:
0x1c3: {  	v15 =	vld [tilespmem:s23+$0x30];
	v14 =	vtrunc.f32 v14;
	v9 =	vmin.f32 v9, $2.550000000e+02;
	v8 =	vmin.f32 v8, $2.550000000e+02  }
0x1c4: {  	s0 =	sadd.s32 $0x80, s0;
	v13 =	vtrunc.f32 v13;
	v12 =	vtrunc.f32 v12;
	[tilespmem:v7+s13+$0x0] =	vst.idx.add.f32.msk $0xffff, v2;
	v7 =	vadd.s32 v1, v6  }
0x1c5: {  	v10 =	vtrunc.f32 v10;
	p0 =	slt.u32 s0, $0x3F80;
	v6 =	vtrunc.f32 v11;
	v11 =	vadd.s32 v1, v5;
	v16 =	vld [tilespmem:s23+$0xFFFFFFD0]  }
0x1c6: {  	v18 =	vadd.s32 v1, v4;
	v9 =	vtrunc.f32 v9;
	v8 =	vtrunc.f32 v8;
	v17 =	vld [tilespmem:s23+$0xFFFFFFE0]  }
0x1c7: {  	v20 =	vadd.s32 v1, v3;
	v14 =	vcvt.f32.s32 v14;
	v13 =	vcvt.f32.s32 v13;
	v19 =	vld [tilespmem:s23+$0xFFFFFFF0]  }
0x1c8: {  	v12 =	vcvt.f32.s32 v12;
	v6 =	vcvt.f32.s32 v6;
	v21 =	vld [tilespmem:s23+$0x0]  }
0x1c9: {  	v5 =	vcvt.f32.s32 v10;
	v4 =	vcvt.f32.s32 v9;
	v15 =	vadd.f32 $4.000000000e+00, v15;
	v22 =	vld [tilespmem:s23+$0x10]  }
0x1ca: {  	v3 =	vcvt.f32.s32 v8;
	v14 =	vadd.s32 v1, v14;
	v9 =	vadd.f32 $4.000000000e+00, v16;
	v10 =	vld [tilespmem:s23+$0x20]  }
0x1cb: {  	v13 =	vadd.s32 v1, v13;
	v15 =	vmul.f32 $3.200000000e+01, v15;
	v8 =	vld [tilespmem:s23+$0xFFFFFFC0];
	v16 =	vadd.f32 $4.000000000e+00, v17  }
0x1cc: {  	v12 =	vadd.s32 v1, v12;
	v9 =	vmul.f32 $3.200000000e+01, v9;
	v17 =	vadd.f32 $4.000000000e+00, v19;
	[tilespmem:v7+s13+$0x0] =	vst.idx.add.f32.msk $0xffff, v2  }
0x1cd: {  	v15 =	vmax.f32 v15, $0.0e+00;
	v7 =	vmul.f32 $3.200000000e+01, v16;
	v16 =	vadd.f32 $4.000000000e+00, v21;
	[tilespmem:v11+s13+$0x0] =	vst.idx.add.f32.msk $0xffff, v2  }
0x1ce: {  	v15 =	vmin.f32 v15, $2.550000000e+02;
	v11 =	vmul.f32 $3.200000000e+01, v17;
	v17 =	vadd.f32 $4.000000000e+00, v22;
	[tilespmem:v18+s13+$0x0] =	vst.idx.add.f32.msk $0xffff, v2  }
0x1cf: {  	v15 =	vtrunc.f32 v15;
	v16 =	vmul.f32 $3.200000000e+01, v16;
	v10 =	vadd.f32 $4.000000000e+00, v10;
	[tilespmem:v14+s13+$0x0] =	vst.idx.add.f32.msk $0xffff, v2  }
0x1d0: {  	v15 =	vcvt.f32.s32 v15;
	v8 =	vadd.f32 $4.000000000e+00, v8;
	v14 =	vmul.f32 $3.200000000e+01, v17;
	[tilespmem:v13+s13+$0x0] =	vst.idx.add.f32.msk $0xffff, v2  }
.Ltmp5:
0x1d1: {  	v13 =	vmax.f32 v9, $0.0e+00;
	v17 =	vmax.f32 v7, $0.0e+00;
	v10 =	vmul.f32 $3.200000000e+01, v10;
	[tilespmem:v12+s13+$0x0] =	vst.idx.add.f32.msk $0xffff, v2;
	(pc) =	sbr.rel @p0 .LBB2_14-.Ltmp5, $4  }
0x1d2: {  	v11 =	vmax.f32 v11, $0.0e+00;
	v7 =	vadd.s32 v1, v15;
	v12 =	vmul.f32 $3.200000000e+01, v8;
	[tilespmem:v20+s13+$0x0] =	vst.idx.add.f32.msk $0xffff, v2  }
0x1d3: {  	v15 =	vmax.f32 v16, $0.0e+00;
	v9 =	vmax.f32 v14, $0.0e+00;
	v8 =	vmax.f32 v10, $0.0e+00  }
0x1d4: {  	v13 =	vmin.f32 v13, $2.550000000e+02;
	v10 =	vmax.f32 v12, $0.0e+00;
	v12 =	vmin.f32 v17, $2.550000000e+02  }
0x1d5: {  	s23 =	sadd.s32 $0x100, s23;
	v11 =	vmin.f32 v11, $2.550000000e+02;
	v14 =	vmin.f32 v10, $2.550000000e+02;
	v10 =	vmin.f32 v15, $2.550000000e+02  }
0x1d6: {  	v14 =	vtrunc.f32 v14;
	v6 =	vadd.s32 v1, v6  }
0x1d7: {  	v13 =	vtrunc.f32 v13;
	v5 =	vadd.s32 v1, v5;
	v12 =	vtrunc.f32 v12  }
0x1d8: {  	v4 =	vadd.s32 v1, v4;
	v9 =	vmin.f32 v9, $2.550000000e+02;
	v14 =	vcvt.f32.s32 v14  }
0x1d9: {  	v8 =	vmin.f32 v8, $2.550000000e+02;
	v3 =	vadd.s32 v1, v3;
	v13 =	vcvt.f32.s32 v13  }
0x1da: {  	[tilespmem:v7+s13+$0x0] =	vst.idx.add.f32.msk $0xffff, v2;
	v7 =	vtrunc.f32 v11;
	v12 =	vcvt.f32.s32 v12;
	v14 =	vadd.s32 v1, v14  }
0x1db: {  	v10 =	vtrunc.f32 v10;
	v7 =	vcvt.f32.s32 v7;
	v11 =	vadd.s32 v1, v13;
	[tilespmem:v6+s13+$0x0] =	vst.idx.add.f32.msk $0xffff, v2  }
0x1dc: {  	v12 =	vadd.s32 v1, v12;
	v6 =	vtrunc.f32 v9;
	v9 =	vcvt.f32.s32 v10;
	[tilespmem:v5+s13+$0x0] =	vst.idx.add.f32.msk $0xffff, v2  }
0x1dd: {  	v5 =	vtrunc.f32 v8;
	[tilespmem:v4+s13+$0x0] =	vst.idx.add.f32.msk $0xffff, v2;
	v4 =	vadd.s32 v1, v7;
	v6 =	vcvt.f32.s32 v6  }
0x1de: {  	[tilespmem:v3+s13+$0x0] =	vst.idx.add.f32.msk $0xffff, v2;
	v5 =	vcvt.f32.s32 v5;
	v7 =	vadd.s32 v1, v9  }
0x1df: {  	[tilespmem:v14+s13+$0x0] =	vst.idx.add.f32.msk $0xffff, v2;
	v6 =	vadd.s32 v1, v6  }
0x1e0: {  	[tilespmem:v11+s13+$0x0] =	vst.idx.add.f32.msk $0xffff, v2;
	v5 =	vadd.s32 v1, v5  }
0x1e1: {  	[tilespmem:v12+s13+$0x0] =	vst.idx.add.f32.msk $0xffff, v2  }
0x1e2: {  	[tilespmem:v4+s13+$0x0] =	vst.idx.add.f32.msk $0xffff, v2  }
0x1e3: {  	[tilespmem:v7+s13+$0x0] =	vst.idx.add.f32.msk $0xffff, v2  }
0x1e4: {  	[tilespmem:v6+s13+$0x0] =	vst.idx.add.f32.msk $0xffff, v2  }
0x1e5: {  	s0 =	simm.s32 $0x10810;
	[tilespmem:v5+s13+$0x0] =	vst.idx.add.f32.msk $0xffff, v2  }
0x1e6: {  	v4 =	vld [tilespmem:s0+$0xFFFFF900]  }
0x1e7: {  	v5 =	vld [tilespmem:s0+$0xFFFFF7F0]  }
0x1e8: {  	s24 =	simm.s32 $0x0;
	v6 =	vld [tilespmem:s0+$0xFFFFF800]  }
0x1e9: {  	s26 =	sand.u32 $0xE0, s24;
	v7 =	vld [tilespmem:s0+$0xFFFFFA00];
	[tilespmem:s0+$0xFFFFF7F0] =	vst v0  }
0x1ea: {  	v8 =	vld [tilespmem:s26+$0x10100]  }
0x1eb: {  	[tilespmem:s0+$0xFFFFFA00] =	vst v0;
	v10 =	vld [tilespmem:s0+$0xFFFFFB00]  }
0x1ec: {  	[tilespmem:s0+$0xFFFFFB00] =	vst v0;
	v9 =	vld [tilespmem:s26+$0x10200]  }
0x1ed: {  	[tilespmem:s0+$0xFFFFF900] =	vst v0;
	v11 =	vld [tilespmem:s26+$0x10300];
	v4 =	vadd.f32 v4, v6  }
0x1ee: {  	[tilespmem:s0+$0xFFFFF800] =	vst v0;
	v6 =	vld [tilespmem:s0+$0xFFFFFC00]  }
0x1ef: {  	[tilespmem:s26+$0x10200] =	vst v0;
	v5 =	vadd.f32 v8, v5;
	v8 =	vld [tilespmem:s26+$0x10400];
	v4 =	vadd.f32 v7, v4  }
0x1f0: {  	[tilespmem:s26+$0x10300] =	vst v0;
	v7 =	vld [tilespmem:s0+$0xFFFFFD00]  }
0x1f1: {  	[tilespmem:s26+$0x10100] =	vst v0;
	v5 =	vadd.f32 v9, v5;
	v9 =	vld [tilespmem:s26+$0x10500];
	v4 =	vadd.f32 v10, v4  }
0x1f2: {  	[tilespmem:s0+$0xFFFFFC00] =	vst v0;
	v10 =	vld [tilespmem:s0+$0xFFFFFE00]  }
0x1f3: {  	[tilespmem:s26+$0x10400] =	vst v0;
	v5 =	vadd.f32 v11, v5;
	v11 =	vld [tilespmem:s26+$0x10600];
	v4 =	vadd.f32 v6, v4  }
0x1f4: {  	[tilespmem:s0+$0xFFFFFD00] =	vst v0;
	v6 =	vld [tilespmem:s0+$0xFFFFFF00]  }
0x1f5: {  	[tilespmem:s26+$0x10500] =	vst v0;
	v5 =	vadd.f32 v8, v5;
	v8 =	vld [tilespmem:s26+$0x10700];
	v4 =	vadd.f32 v7, v4  }
0x1f6: {  	[tilespmem:s0+$0xFFFFFE00] =	vst v0;
	v7 =	vld [tilespmem:s0+$0x0]  }
0x1f7: {  	[tilespmem:s26+$0x10600] =	vst v0;
	v5 =	vadd.f32 v9, v5;
	v9 =	vld [tilespmem:s26+$0x10800];
	v4 =	vadd.f32 v10, v4  }
0x1f8: {  	[tilespmem:s0+$0xFFFFFF00] =	vst v0;
	v10 =	vld [tilespmem:s0+$0x100]  }
0x1f9: {  	[tilespmem:s26+$0x10700] =	vst v0;
	v5 =	vadd.f32 v11, v5;
	v11 =	vld [tilespmem:s26+$0x10900];
	v4 =	vadd.f32 v6, v4  }
0x1fa: {  	[tilespmem:s0+$0x0] =	vst v0;
	v6 =	vld [tilespmem:s0+$0x200]  }
0x1fb: {  	[tilespmem:s26+$0x10800] =	vst v0;
	v5 =	vadd.f32 v8, v5;
	v8 =	vld [tilespmem:s26+$0x10A00];
	v4 =	vadd.f32 v7, v4  }
0x1fc: {  	[tilespmem:s0+$0x100] =	vst v0;
	v7 =	vld [tilespmem:s0+$0x300]  }
0x1fd: {  	[tilespmem:s26+$0x10900] =	vst v0;
	v5 =	vadd.f32 v9, v5;
	v9 =	vld [tilespmem:s26+$0x10B00];
	v4 =	vadd.f32 v10, v4  }
0x1fe: {  	[tilespmem:s0+$0x200] =	vst v0;
	v10 =	vld [tilespmem:s0+$0x400]  }
0x1ff: {  	[tilespmem:s26+$0x10A00] =	vst v0;
	v5 =	vadd.f32 v11, v5;
	v11 =	vld [tilespmem:s26+$0x10C00];
	v4 =	vadd.f32 v6, v4  }
0x200: {  	[tilespmem:s0+$0x300] =	vst v0;
	v6 =	vld [tilespmem:s0+$0x500]  }
0x201: {  	[tilespmem:s26+$0x10B00] =	vst v0;
	v5 =	vadd.f32 v8, v5;
	v8 =	vld [tilespmem:s26+$0x10D00];
	v4 =	vadd.f32 v7, v4  }
0x202: {  	[tilespmem:s0+$0x400] =	vst v0;
	v7 =	vld [tilespmem:s0+$0x600]  }
0x203: {  	[tilespmem:s26+$0x10C00] =	vst v0;
	v5 =	vadd.f32 v9, v5;
	v9 =	vld [tilespmem:s26+$0x10E00];
	v4 =	vadd.f32 v10, v4  }
0x204: {  	[tilespmem:s0+$0x500] =	vst v0;
	v10 =	vld [tilespmem:s0+$0x700]  }
0x205: {  	s1 =	sor.u32 $0x100, s22;
	[tilespmem:s26+$0x10D00] =	vst v0;
	v5 =	vadd.f32 v11, v5;
	v6 =	vadd.f32 v6, v4  }
0x206: {  	s25 =	simm.s32 $0x10830;
	v3 =	vmov s1;
	[tilespmem:s0+$0x600] =	vst v0;
	v11 =	vld [tilespmem:s26+$0x10F00]  }
0x207: {  	s23 =	simm.s32 $0x0;
	[tilespmem:s26+$0x10E00] =	vst v0;
	v4 =	vld [tilespmem:s25+$0xFFFFFA00];
	v5 =	vadd.f32 v8, v5;
	v8 =	vadd.f32 v7, v6  }
0x208: {  	s28 =	simm.s32 $0x10;
	s30 =	sand.u32 $0x400, s23;
	[tilespmem:s26+$0x10F00] =	vst v0;
	s26 =	simm.s32 $0x20;
	v6 =	vld [tilespmem:s25+$0xFFFFF900]  }
0x209: {  	s29 =	sand.u32 $0x70, s28;
	s1 =	sadd.s32 s30, s21;
	s28 =	sand.u32 $0xE0, s26;
	v7 =	vld [tilespmem:s25+$0xFFFFF7F0];
	[tilespmem:s25+$0xFFFFF7F0] =	vst v0;
	v5 =	vadd.f32 v9, v5;
	v10 =	vadd.f32 v10, v8  }
0x20a: {  	s31 =	sand.u32 $0x60, s24;
	s30 =	sadd.s32 s29, s1;
	[tilespmem:s0+$0x700] =	vst v0;
	v9 =	vld [tilespmem:s28+$0x10100]  }
0x20b: {  	s29 =	simm.s32 $0x10850;
	s0 =	sadd.s32 s31, s1;
	v8 =	vld [tilespmem:s25+$0xFFFFF800];
	v5 =	vadd.f32 v11, v5;
	[tilespmem:v3+s30+$0x0 ss:$0x1] =	vst.idx.msk $0xffff, v10  }
.LBB2_16:
0x20c: {  	s23 =	sadd.s32 $0x100, s23  }
0x20d: {  	v10 =	vld [tilespmem:s29+$0xFFFFFA00];
	[tilespmem:v3+s0+$0x0 ss:$0x1] =	vst.idx.msk $0xffff, v5;
	s30 =	smov.u32 s26;
	s0 =	smov.u32 s26;
	s26 =	sadd.s32 $0x20, s26  }
0x20e: {  	p0 =	slt.u32 s26, $0xE0;
	v5 =	vld [tilespmem:s28+$0x10200];
	[tilespmem:s25+$0xFFFFFA00] =	vst v0  }
0x20f: {  	[tilespmem:s28+$0x10200] =	vst v0;
	v11 =	vld [tilespmem:s25+$0xFFFFFB00]  }
0x210: {  	v12 =	vld [tilespmem:s28+$0x10300];
	v6 =	vadd.f32 v6, v8;
	[tilespmem:s25+$0xFFFFFB00] =	vst v0  }
0x211: {  	v7 =	vadd.f32 v9, v7;
	[tilespmem:s28+$0x10300] =	vst v0;
	v8 =	vld [tilespmem:s25+$0xFFFFFC00]  }
0x212: {  	v9 =	vld [tilespmem:s28+$0x10400];
	[tilespmem:s25+$0xFFFFF900] =	vst v0;
	v6 =	vadd.f32 v4, v6;
	v4 =	vmov v10  }
0x213: {  	v5 =	vadd.f32 v5, v7;
	[tilespmem:s28+$0x10400] =	vst v0;
	v7 =	vld [tilespmem:s25+$0xFFFFFD00]  }
0x214: {  	v10 =	vld [tilespmem:s28+$0x10500];
	v6 =	vadd.f32 v11, v6;
	[tilespmem:s25+$0xFFFFFD00] =	vst v0  }
0x215: {  	v5 =	vadd.f32 v12, v5;
	[tilespmem:s28+$0x10500] =	vst v0;
	v11 =	vld [tilespmem:s25+$0xFFFFFE00]  }
0x216: {  	v12 =	vld [tilespmem:s28+$0x10600];
	v6 =	vadd.f32 v8, v6;
	[tilespmem:s25+$0xFFFFFC00] =	vst v0  }
0x217: {  	v5 =	vadd.f32 v9, v5;
	[tilespmem:s28+$0x10600] =	vst v0;
	v8 =	vld [tilespmem:s25+$0xFFFFFF00]  }
0x218: {  	v9 =	vld [tilespmem:s28+$0x10700];
	v6 =	vadd.f32 v7, v6;
	[tilespmem:s25+$0xFFFFFF00] =	vst v0  }
0x219: {  	v5 =	vadd.f32 v10, v5;
	[tilespmem:s28+$0x10700] =	vst v0;
	v7 =	vld [tilespmem:s25+$0x0]  }
0x21a: {  	v10 =	vld [tilespmem:s28+$0x10800];
	v6 =	vadd.f32 v11, v6;
	[tilespmem:s25+$0xFFFFFE00] =	vst v0  }
0x21b: {  	v5 =	vadd.f32 v12, v5;
	[tilespmem:s28+$0x10800] =	vst v0;
	v11 =	vld [tilespmem:s25+$0x100]  }
0x21c: {  	v12 =	vld [tilespmem:s28+$0x10900];
	v6 =	vadd.f32 v8, v6;
	[tilespmem:s25+$0x100] =	vst v0  }
0x21d: {  	v5 =	vadd.f32 v9, v5;
	[tilespmem:s28+$0x10900] =	vst v0;
	v8 =	vld [tilespmem:s25+$0x200]  }
0x21e: {  	v9 =	vld [tilespmem:s28+$0x10A00];
	v6 =	vadd.f32 v7, v6;
	[tilespmem:s25+$0x0] =	vst v0  }
0x21f: {  	v5 =	vadd.f32 v10, v5;
	[tilespmem:s28+$0x10A00] =	vst v0;
	v7 =	vld [tilespmem:s25+$0x300]  }
0x220: {  	v10 =	vld [tilespmem:s28+$0x10B00];
	v6 =	vadd.f32 v11, v6;
	[tilespmem:s25+$0x200] =	vst v0  }
0x221: {  	v5 =	vadd.f32 v12, v5;
	[tilespmem:s25+$0x300] =	vst v0;
	v11 =	vld [tilespmem:s25+$0x400]  }
0x222: {  	v12 =	vld [tilespmem:s28+$0x10C00];
	v6 =	vadd.f32 v8, v6;
	[tilespmem:s25+$0x400] =	vst v0  }
0x223: {  	v5 =	vadd.f32 v9, v5;
	[tilespmem:s28+$0x10C00] =	vst v0;
	v8 =	vld [tilespmem:s25+$0x500]  }
0x224: {  	v9 =	vld [tilespmem:s28+$0x10D00];
	v6 =	vadd.f32 v7, v6;
	[tilespmem:s25+$0x500] =	vst v0  }
0x225: {  	[tilespmem:s28+$0x10100] =	vst v0;
	v5 =	vadd.f32 v10, v5;
	v7 =	vld [tilespmem:s25+$0x600]  }
0x226: {  	v10 =	vld [tilespmem:s28+$0x10E00];
	v6 =	vadd.f32 v11, v6;
	[tilespmem:s25+$0x600] =	vst v0  }
0x227: {  	[tilespmem:s28+$0x10B00] =	vst v0;
	v5 =	vadd.f32 v12, v5;
	v11 =	vld [tilespmem:s25+$0x700]  }
0x228: {  	v12 =	vld [tilespmem:s28+$0x10F00];
	v6 =	vadd.f32 v8, v6;
	[tilespmem:s25+$0x700] =	vst v0  }
0x229: {  	v5 =	vadd.f32 v9, v5;
	[tilespmem:s28+$0x10F00] =	vst v0  }
.Ltmp6:
0x22a: {  	[tilespmem:s28+$0x10E00] =	vst v0;
	v8 =	vadd.f32 v7, v6;
	(pc) =	sbr.rel @p0 .LBB2_16-.Ltmp6, $4  }
0x22b: {  	s1 =	sand.u32 $0x400, s23;
	v6 =	vld [tilespmem:s29+$0xFFFFF900];
	[tilespmem:s28+$0x10D00] =	vst v0;
	v5 =	vadd.f32 v10, v5;
	s28 =	sadd.s32 $0x30, s24;
	s24 =	smov.u32 s0  }
0x22c: {  	s0 =	sadd.s32 s1, s21;
	v7 =	vld [tilespmem:s29+$0xFFFFF7F0];
	s1 =	sand.u32 $0x70, s28;
	[tilespmem:s25+$0xFFFFF800] =	vst v0;
	v10 =	vadd.f32 v11, v8;
	s25 =	smov.u32 s29  }
0x22d: {  	s30 =	sand.u32 $0x60, s30;
	s28 =	sand.u32 $0xE0, s26;
	[tilespmem:s29+$0xFFFFF7F0] =	vst v0;
	v8 =	vld [tilespmem:s29+$0xFFFFF800];
	v5 =	vadd.f32 v12, v5;
	s1 =	sadd.s32 s1, s0  }
0x22e: {  	s29 =	sadd.s32 $0x20, s29;
	s0 =	sadd.s32 s30, s0;
	v9 =	vld [tilespmem:s28+$0x10100];
	[tilespmem:v3+s1+$0x0 ss:$0x1] =	vst.idx.msk $0xffff, v10  }
0x22f: {  	_ = 	snop  }
0x230: {  	v10 =	vld [tilespmem:s28+$0x10200]  }
0x231: {  	[tilespmem:s25+$0xFFFFFA00] =	vst v0;
	v11 =	vld [tilespmem:s25+$0xFFFFFB00]  }
0x232: {  	[tilespmem:s28+$0x10200] =	vst v0;
	v12 =	vld [tilespmem:s28+$0x10300]  }
0x233: {  	[tilespmem:v3+s0+$0x0 ss:$0x1] =	vst.idx.msk $0xffff, v5;
	v5 =	vld [tilespmem:s28+$0x10F00];
	v6 =	vadd.f32 v6, v8  }
0x234: {  	[tilespmem:s25+$0xFFFFFB00] =	vst v0;
	v8 =	vld [tilespmem:s25+$0xFFFFFC00];
	v7 =	vadd.f32 v9, v7  }
0x235: {  	[tilespmem:s28+$0x10300] =	vst v0;
	v9 =	vld [tilespmem:s28+$0x10400];
	v4 =	vadd.f32 v4, v6  }
0x236: {  	[tilespmem:s25+$0xFFFFF900] =	vst v0;
	v6 =	vld [tilespmem:s25+$0xFFFFFD00];
	v7 =	vadd.f32 v10, v7  }
0x237: {  	[tilespmem:s28+$0x10100] =	vst v0;
	v10 =	vld [tilespmem:s28+$0x10500];
	v4 =	vadd.f32 v11, v4  }
0x238: {  	[tilespmem:s28+$0x10F00] =	vst v0;
	v11 =	vld [tilespmem:s25+$0xFFFFFE00];
	v7 =	vadd.f32 v12, v7  }
0x239: {  	[tilespmem:s25+$0xFFFFF800] =	vst v0;
	v12 =	vld [tilespmem:s28+$0x10600];
	v4 =	vadd.f32 v8, v4  }
0x23a: {  	[tilespmem:s25+$0xFFFFFC00] =	vst v0;
	v8 =	vld [tilespmem:s25+$0xFFFFFF00];
	v7 =	vadd.f32 v9, v7  }
0x23b: {  	[tilespmem:s28+$0x10400] =	vst v0;
	v9 =	vld [tilespmem:s28+$0x10700];
	v4 =	vadd.f32 v6, v4  }
0x23c: {  	[tilespmem:s25+$0xFFFFFD00] =	vst v0;
	v6 =	vld [tilespmem:s25+$0x0];
	v7 =	vadd.f32 v10, v7  }
0x23d: {  	[tilespmem:s28+$0x10500] =	vst v0;
	v10 =	vld [tilespmem:s28+$0x10800];
	v4 =	vadd.f32 v11, v4  }
0x23e: {  	[tilespmem:s25+$0xFFFFFE00] =	vst v0;
	v11 =	vld [tilespmem:s25+$0x100];
	v7 =	vadd.f32 v12, v7  }
0x23f: {  	[tilespmem:s28+$0x10600] =	vst v0;
	v12 =	vld [tilespmem:s28+$0x10900];
	v4 =	vadd.f32 v8, v4  }
0x240: {  	[tilespmem:s25+$0xFFFFFF00] =	vst v0;
	v8 =	vld [tilespmem:s25+$0x200];
	v7 =	vadd.f32 v9, v7  }
0x241: {  	[tilespmem:s28+$0x10700] =	vst v0;
	v9 =	vld [tilespmem:s28+$0x10A00];
	v4 =	vadd.f32 v6, v4  }
0x242: {  	[tilespmem:s25+$0x0] =	vst v0;
	v6 =	vld [tilespmem:s25+$0x300];
	v7 =	vadd.f32 v10, v7  }
0x243: {  	[tilespmem:s28+$0x10800] =	vst v0;
	v10 =	vld [tilespmem:s28+$0x10B00];
	v4 =	vadd.f32 v11, v4  }
0x244: {  	[tilespmem:s25+$0x100] =	vst v0;
	v11 =	vld [tilespmem:s25+$0x400];
	v7 =	vadd.f32 v12, v7  }
0x245: {  	[tilespmem:s28+$0x10900] =	vst v0;
	v4 =	vadd.f32 v8, v4;
	v8 =	vld [tilespmem:s28+$0x10C00]  }
0x246: {  	[tilespmem:s25+$0x200] =	vst v0;
	v7 =	vadd.f32 v9, v7;
	v9 =	vld [tilespmem:s25+$0x500]  }
0x247: {  	[tilespmem:s28+$0x10A00] =	vst v0;
	v4 =	vadd.f32 v6, v4;
	v6 =	vld [tilespmem:s28+$0x10D00]  }
0x248: {  	[tilespmem:s25+$0x300] =	vst v0;
	v7 =	vadd.f32 v10, v7;
	v10 =	vld [tilespmem:s25+$0x600]  }
0x249: {  	[tilespmem:s28+$0x10B00] =	vst v0;
	v4 =	vadd.f32 v11, v4;
	v11 =	vld [tilespmem:s28+$0x10E00]  }
0x24a: {  	[tilespmem:s25+$0x400] =	vst v0;
	v7 =	vadd.f32 v8, v7;
	v8 =	vld [tilespmem:s25+$0x700]  }
0x24b: {  	[tilespmem:s28+$0x10C00] =	vst v0;
	v4 =	vadd.f32 v9, v4  }
0x24c: {  	[tilespmem:s25+$0x500] =	vst v0;
	v6 =	vadd.f32 v6, v7  }
0x24d: {  	s23 =	sadd.s32 $0x100, s23;
	[tilespmem:s28+$0x10D00] =	vst v0;
	v4 =	vadd.f32 v10, v4  }
0x24e: {  	s1 =	sadd.s32 $0x30, s24;
	s0 =	sand.u32 $0x400, s23;
	[tilespmem:s25+$0x600] =	vst v0;
	v6 =	vadd.f32 v11, v6  }
0x24f: {  	s1 =	sand.u32 $0x70, s1;
	s0 =	sadd.s32 s0, s21;
	[tilespmem:s28+$0x10E00] =	vst v0;
	v4 =	vadd.f32 v8, v4  }
0x250: {  	s29 =	sand.u32 $0x60, s26;
	s1 =	sadd.s32 s1, s0;
	[tilespmem:s25+$0x700] =	vst v0;
	v5 =	vadd.f32 v5, v6  }
0x251: {  	s23 =	sadd.s32 s29, s0;
	[tilespmem:v3+s1+$0x0 ss:$0x1] =	vst.idx.msk $0xffff, v4  }
0x252: {  	s30 =	simm.s32 $0x80F0;
	[tilespmem:v3+s23+$0x0 ss:$0x1] =	vst.idx.msk $0xffff, v5  }
0x253: {  	v3 =	vld [tilespmem:s30+$0x0]  }
0x254: {  	v4 =	vld [tilespmem:s30+$0xFFFFFFA0]  }
0x255: {  	v5 =	vld [tilespmem:s30+$0xFFFFFFB0]  }
0x256: {  	v6 =	vld [tilespmem:s30+$0xFFFFFFC0]  }
0x257: {  	v7 =	vld [tilespmem:s30+$0xFFFFFFD0]  }
0x258: {  	v8 =	vld [tilespmem:s30+$0xFFFFFFE0]  }
0x259: {  	v9 =	vld [tilespmem:s30+$0xFFFFFFF0]  }
0x25a: {  	s31 =	simm.s32 $0x81F0;
	v10 =	vld [tilespmem:s30+$0xFFFFFF90]  }
0x25b: {  	v11 =	vld [tilespmem:s31+$0x0];
	v3 =	vadd.f32 $4.000000000e+00, v3  }
0x25c: {  	v14 =	vld [tilespmem:s31+$0xFFFFFFC0];
	v4 =	vadd.f32 $4.000000000e+00, v4;
	v5 =	vadd.f32 $4.000000000e+00, v5  }
0x25d: {  	v17 =	vld [tilespmem:s31+$0xFFFFFFD0];
	v6 =	vadd.f32 $4.000000000e+00, v6;
	v7 =	vadd.f32 $4.000000000e+00, v7  }
0x25e: {  	v8 =	vadd.f32 $4.000000000e+00, v8;
	v9 =	vadd.f32 $4.000000000e+00, v9  }
0x25f: {  	v10 =	vadd.f32 $4.000000000e+00, v10;
	v3 =	vmul.f32 $3.200000000e+01, v3;
	v4 =	vmul.f32 $3.200000000e+01, v4  }
0x260: {  	v11 =	vadd.f32 $4.000000000e+00, v11;
	v5 =	vmul.f32 $3.200000000e+01, v5;
	v6 =	vmul.f32 $3.200000000e+01, v6  }
0x261: {  	v14 =	vadd.f32 $4.000000000e+00, v14;
	v7 =	vmul.f32 $3.200000000e+01, v7;
	v8 =	vmul.f32 $3.200000000e+01, v8  }
0x262: {  	v17 =	vadd.f32 $4.000000000e+00, v17;
	v9 =	vmul.f32 $3.200000000e+01, v9;
	v10 =	vmul.f32 $3.200000000e+01, v10  }
0x263: {  	v11 =	vmul.f32 $3.200000000e+01, v11;
	v14 =	vmul.f32 $3.200000000e+01, v14  }
0x264: {  	v17 =	vmul.f32 $3.200000000e+01, v17;
	v3 =	vmax.f32 v3, $0.0e+00;
	v4 =	vmax.f32 v4, $0.0e+00  }
0x265: {  	v5 =	vmax.f32 v5, $0.0e+00;
	v6 =	vmax.f32 v6, $0.0e+00;
	v7 =	vmax.f32 v7, $0.0e+00  }
0x266: {  	v8 =	vmax.f32 v8, $0.0e+00;
	v9 =	vmax.f32 v9, $0.0e+00;
	v10 =	vmax.f32 v10, $0.0e+00  }
0x267: {  	v11 =	vmax.f32 v11, $0.0e+00;
	v3 =	vmin.f32 v3, $2.550000000e+02;
	v4 =	vmin.f32 v4, $2.550000000e+02  }
0x268: {  	v5 =	vmin.f32 v5, $2.550000000e+02;
	v10 =	vmin.f32 v10, $2.550000000e+02;
	v6 =	vmin.f32 v6, $2.550000000e+02  }
0x269: {  	v7 =	vmin.f32 v7, $2.550000000e+02;
	v3 =	vtrunc.f32 v3;
	v10 =	vtrunc.f32 v10  }
0x26a: {  	v12 =	vld [tilespmem:s31+$0xFFFFFFA0];
	v8 =	vmin.f32 v8, $2.550000000e+02;
	v4 =	vtrunc.f32 v4;
	v5 =	vtrunc.f32 v5  }
0x26b: {  	v19 =	vld [tilespmem:s31+$0xFFFFFFE0];
	v9 =	vmin.f32 v9, $2.550000000e+02;
	v6 =	vtrunc.f32 v6;
	v7 =	vtrunc.f32 v7  }
0x26c: {  	v13 =	vld [tilespmem:s31+$0xFFFFFFB0];
	v11 =	vmin.f32 v11, $2.550000000e+02;
	v8 =	vtrunc.f32 v8;
	v9 =	vtrunc.f32 v9  }
0x26d: {  	v11 =	vtrunc.f32 v11;
	v3 =	vcvt.f32.s32 v3  }
0x26e: {  	v10 =	vcvt.f32.s32 v10;
	v15 =	vcvt.f32.s32 v4  }
0x26f: {  	v18 =	vcvt.f32.s32 v5;
	v16 =	vadd.s32 v1, v3;
	v3 =	vcvt.f32.s32 v9;
	v9 =	vld [tilespmem:s31+$0xFFFFFF90]  }
0x270: {  	v61 =	vadd.f32 $4.000000000e+00, v19;
	v5 =	vcvt.f32.s32 v7;
	v4 =	vcvt.f32.s32 v8;
	v8 =	vld [tilespmem:s31+$0xFFFFFFF0]  }
0x271: {  	v7 =	vadd.f32 $4.000000000e+00, v12;
	v12 =	vadd.f32 $4.000000000e+00, v13;
	v10 =	vadd.s32 v1, v10  }
0x272: {  	v6 =	vcvt.f32.s32 v6;
	v11 =	vcvt.f32.s32 v11;
	v13 =	vadd.s32 v1, v15  }
0x273: {  	v20 =	vmax.f32 v14, $0.0e+00;
	v7 =	vmul.f32 $3.200000000e+01, v7;
	v12 =	vmul.f32 $3.200000000e+01, v12  }
0x274: {  	v15 =	vadd.s32 v1, v18;
	v18 =	vmul.f32 $3.200000000e+01, v61;
	v9 =	vadd.f32 $4.000000000e+00, v9  }
0x275: {  	v62 =	vmax.f32 v7, $0.0e+00;
	v12 =	vmax.f32 v12, $0.0e+00;
	v8 =	vadd.f32 $4.000000000e+00, v8  }
0x276: {  	v7 =	vadd.s32 v1, v11;
	v12 =	vmin.f32 v12, $2.550000000e+02;
	[tilespmem:v10+s13+$0x0] =	vst.idx.add.f32.msk $0xffff, v2;
	v63 =	vmul.f32 $3.200000000e+01, v9  }
0x277: {  	v8 =	vmul.f32 $3.200000000e+01, v8;
	v10 =	vmax.f32 v17, $0.0e+00;
	[tilespmem:v13+s13+$0x0] =	vst.idx.add.f32.msk $0xffff, v2;
	v13 =	vmin.f32 v62, $2.550000000e+02  }
0x278: {  	[tilespmem:v16+s13+$0x0] =	vst.idx.add.f32.msk $0xffff, v2;
	v10 =	vmin.f32 v10, $2.550000000e+02;
	v9 =	vmax.f32 v18, $0.0e+00;
	v11 =	vmax.f32 v63, $0.0e+00  }
0x279: {  	s0 =	simm.s32 $0x80;
	s23 =	simm.s32 $0x82F0;
	[tilespmem:v15+s13+$0x0] =	vst.idx.add.f32.msk $0xffff, v2;
	v8 =	vmax.f32 v8, $0.0e+00;
	v14 =	vmin.f32 v11, $2.550000000e+02;
	v11 =	vmin.f32 v20, $2.550000000e+02  }
.LBB2_18:
0x27a: {  	v15 =	vld [tilespmem:s23+$0x0];
	v14 =	vtrunc.f32 v14;
	v9 =	vmin.f32 v9, $2.550000000e+02;
	v8 =	vmin.f32 v8, $2.550000000e+02  }
0x27b: {  	s0 =	sadd.s32 $0x80, s0;
	v13 =	vtrunc.f32 v13;
	v12 =	vtrunc.f32 v12;
	[tilespmem:v7+s13+$0x0] =	vst.idx.add.f32.msk $0xffff, v2;
	v7 =	vadd.s32 v1, v6  }
0x27c: {  	v10 =	vtrunc.f32 v10;
	p0 =	slt.u32 s0, $0x3F80;
	v6 =	vtrunc.f32 v11;
	v11 =	vadd.s32 v1, v5;
	v16 =	vld [tilespmem:s23+$0xFFFFFFA0]  }
0x27d: {  	v18 =	vadd.s32 v1, v4;
	v9 =	vtrunc.f32 v9;
	v8 =	vtrunc.f32 v8;
	v17 =	vld [tilespmem:s23+$0xFFFFFFB0]  }
0x27e: {  	v20 =	vadd.s32 v1, v3;
	v14 =	vcvt.f32.s32 v14;
	v13 =	vcvt.f32.s32 v13;
	v19 =	vld [tilespmem:s23+$0xFFFFFFC0]  }
0x27f: {  	v12 =	vcvt.f32.s32 v12;
	v6 =	vcvt.f32.s32 v6;
	v21 =	vld [tilespmem:s23+$0xFFFFFFD0]  }
0x280: {  	v5 =	vcvt.f32.s32 v10;
	v4 =	vcvt.f32.s32 v9;
	v15 =	vadd.f32 $4.000000000e+00, v15;
	v22 =	vld [tilespmem:s23+$0xFFFFFFE0]  }
0x281: {  	v3 =	vcvt.f32.s32 v8;
	v14 =	vadd.s32 v1, v14;
	v9 =	vadd.f32 $4.000000000e+00, v16;
	v10 =	vld [tilespmem:s23+$0xFFFFFFF0]  }
0x282: {  	v13 =	vadd.s32 v1, v13;
	v15 =	vmul.f32 $3.200000000e+01, v15;
	v8 =	vld [tilespmem:s23+$0xFFFFFF90];
	v16 =	vadd.f32 $4.000000000e+00, v17  }
0x283: {  	v12 =	vadd.s32 v1, v12;
	v9 =	vmul.f32 $3.200000000e+01, v9;
	v17 =	vadd.f32 $4.000000000e+00, v19;
	[tilespmem:v7+s13+$0x0] =	vst.idx.add.f32.msk $0xffff, v2  }
0x284: {  	v15 =	vmax.f32 v15, $0.0e+00;
	v7 =	vmul.f32 $3.200000000e+01, v16;
	v16 =	vadd.f32 $4.000000000e+00, v21;
	[tilespmem:v11+s13+$0x0] =	vst.idx.add.f32.msk $0xffff, v2  }
0x285: {  	v15 =	vmin.f32 v15, $2.550000000e+02;
	v11 =	vmul.f32 $3.200000000e+01, v17;
	v17 =	vadd.f32 $4.000000000e+00, v22;
	[tilespmem:v18+s13+$0x0] =	vst.idx.add.f32.msk $0xffff, v2  }
0x286: {  	v15 =	vtrunc.f32 v15;
	v16 =	vmul.f32 $3.200000000e+01, v16;
	v10 =	vadd.f32 $4.000000000e+00, v10;
	[tilespmem:v14+s13+$0x0] =	vst.idx.add.f32.msk $0xffff, v2  }
0x287: {  	v15 =	vcvt.f32.s32 v15;
	v8 =	vadd.f32 $4.000000000e+00, v8;
	v14 =	vmul.f32 $3.200000000e+01, v17;
	[tilespmem:v13+s13+$0x0] =	vst.idx.add.f32.msk $0xffff, v2  }
.Ltmp7:
0x288: {  	v13 =	vmax.f32 v9, $0.0e+00;
	v17 =	vmax.f32 v7, $0.0e+00;
	v10 =	vmul.f32 $3.200000000e+01, v10;
	[tilespmem:v12+s13+$0x0] =	vst.idx.add.f32.msk $0xffff, v2;
	(pc) =	sbr.rel @p0 .LBB2_18-.Ltmp7, $4  }
0x289: {  	v11 =	vmax.f32 v11, $0.0e+00;
	v7 =	vadd.s32 v1, v15;
	v12 =	vmul.f32 $3.200000000e+01, v8;
	[tilespmem:v20+s13+$0x0] =	vst.idx.add.f32.msk $0xffff, v2  }
0x28a: {  	v15 =	vmax.f32 v16, $0.0e+00;
	v9 =	vmax.f32 v14, $0.0e+00;
	v8 =	vmax.f32 v10, $0.0e+00  }
0x28b: {  	v13 =	vmin.f32 v13, $2.550000000e+02;
	v10 =	vmax.f32 v12, $0.0e+00;
	v12 =	vmin.f32 v17, $2.550000000e+02  }
0x28c: {  	s23 =	sadd.s32 $0x100, s23;
	v11 =	vmin.f32 v11, $2.550000000e+02;
	v14 =	vmin.f32 v10, $2.550000000e+02;
	v10 =	vmin.f32 v15, $2.550000000e+02  }
0x28d: {  	v14 =	vtrunc.f32 v14;
	v6 =	vadd.s32 v1, v6  }
0x28e: {  	v13 =	vtrunc.f32 v13;
	v5 =	vadd.s32 v1, v5;
	v12 =	vtrunc.f32 v12  }
0x28f: {  	v4 =	vadd.s32 v1, v4;
	v9 =	vmin.f32 v9, $2.550000000e+02;
	v14 =	vcvt.f32.s32 v14  }
0x290: {  	v8 =	vmin.f32 v8, $2.550000000e+02;
	v3 =	vadd.s32 v1, v3;
	v13 =	vcvt.f32.s32 v13  }
0x291: {  	[tilespmem:v7+s13+$0x0] =	vst.idx.add.f32.msk $0xffff, v2;
	v7 =	vtrunc.f32 v11;
	v12 =	vcvt.f32.s32 v12;
	v14 =	vadd.s32 v1, v14  }
0x292: {  	v10 =	vtrunc.f32 v10;
	v7 =	vcvt.f32.s32 v7;
	v11 =	vadd.s32 v1, v13;
	[tilespmem:v6+s13+$0x0] =	vst.idx.add.f32.msk $0xffff, v2  }
0x293: {  	v12 =	vadd.s32 v1, v12;
	v6 =	vtrunc.f32 v9;
	v9 =	vcvt.f32.s32 v10;
	[tilespmem:v5+s13+$0x0] =	vst.idx.add.f32.msk $0xffff, v2  }
0x294: {  	v5 =	vtrunc.f32 v8;
	[tilespmem:v4+s13+$0x0] =	vst.idx.add.f32.msk $0xffff, v2;
	v4 =	vadd.s32 v1, v7;
	v6 =	vcvt.f32.s32 v6  }
0x295: {  	[tilespmem:v3+s13+$0x0] =	vst.idx.add.f32.msk $0xffff, v2;
	v5 =	vcvt.f32.s32 v5;
	v7 =	vadd.s32 v1, v9  }
0x296: {  	[tilespmem:v14+s13+$0x0] =	vst.idx.add.f32.msk $0xffff, v2;
	v6 =	vadd.s32 v1, v6  }
0x297: {  	[tilespmem:v11+s13+$0x0] =	vst.idx.add.f32.msk $0xffff, v2;
	v5 =	vadd.s32 v1, v5  }
0x298: {  	[tilespmem:v12+s13+$0x0] =	vst.idx.add.f32.msk $0xffff, v2  }
0x299: {  	[tilespmem:v4+s13+$0x0] =	vst.idx.add.f32.msk $0xffff, v2  }
0x29a: {  	[tilespmem:v7+s13+$0x0] =	vst.idx.add.f32.msk $0xffff, v2  }
0x29b: {  	[tilespmem:v6+s13+$0x0] =	vst.idx.add.f32.msk $0xffff, v2  }
0x29c: {  	s0 =	simm.s32 $0x10810;
	[tilespmem:v5+s13+$0x0] =	vst.idx.add.f32.msk $0xffff, v2  }
0x29d: {  	v4 =	vld [tilespmem:s0+$0xFFFFFA00]  }
0x29e: {  	v5 =	vld [tilespmem:s0+$0xFFFFF900]  }
0x29f: {  	v6 =	vld [tilespmem:s0+$0xFFFFF7F0]  }
0x2a0: {  	v7 =	vld [tilespmem:s0+$0xFFFFF800]  }
0x2a1: {  	v9 =	vld [tilespmem:s0+$0x700]  }
0x2a2: {  	s23 =	simm.s32 $0x0;
	v11 =	vld [tilespmem:s0+$0xFFFFFB00]  }
0x2a3: {  	s25 =	sand.u32 $0xE0, s23;
	[tilespmem:s0+$0xFFFFF7F0] =	vst v0;
	v63 =	vld [tilespmem:s0+$0x600]  }
0x2a4: {  	v8 =	vld [tilespmem:s25+$0x10100]  }
0x2a5: {  	v10 =	vld [tilespmem:s25+$0x10200]  }
0x2a6: {  	[tilespmem:s0+$0x700] =	vst v0;
	v12 =	vld [tilespmem:s25+$0x10300]  }
0x2a7: {  	[tilespmem:s0+$0xFFFFFA00] =	vst v0;
	v60 =	vld [tilespmem:s25+$0x10600]  }
0x2a8: {  	[tilespmem:s0+$0xFFFFFB00] =	vst v0;
	v61 =	vld [tilespmem:s25+$0x10900];
	v5 =	vadd.f32 v5, v7  }
0x2a9: {  	[tilespmem:s0+$0xFFFFF900] =	vst v0;
	v7 =	vld [tilespmem:s0+$0xFFFFFC00];
	v6 =	vadd.f32 v8, v6  }
0x2aa: {  	[tilespmem:s0+$0x600] =	vst v0;
	v8 =	vld [tilespmem:s25+$0x10400];
	v4 =	vadd.f32 v4, v5  }
0x2ab: {  	[tilespmem:s0+$0xFFFFF800] =	vst v0;
	v5 =	vld [tilespmem:s0+$0xFFFFFD00];
	v6 =	vadd.f32 v10, v6  }
0x2ac: {  	[tilespmem:s25+$0x10200] =	vst v0;
	v10 =	vld [tilespmem:s25+$0x10500];
	v4 =	vadd.f32 v11, v4  }
0x2ad: {  	[tilespmem:s25+$0x10300] =	vst v0;
	v11 =	vld [tilespmem:s0+$0xFFFFFE00];
	v6 =	vadd.f32 v12, v6  }
0x2ae: {  	[tilespmem:s25+$0x10100] =	vst v0;
	v62 =	vld [tilespmem:s25+$0x10C00];
	v4 =	vadd.f32 v7, v4  }
0x2af: {  	[tilespmem:s25+$0x10600] =	vst v0;
	v7 =	vld [tilespmem:s0+$0xFFFFFF00];
	v6 =	vadd.f32 v8, v6  }
0x2b0: {  	[tilespmem:s25+$0x10900] =	vst v0;
	v8 =	vld [tilespmem:s25+$0x10700];
	v4 =	vadd.f32 v5, v4  }
0x2b1: {  	[tilespmem:s25+$0x10C00] =	vst v0;
	v5 =	vld [tilespmem:s0+$0x0];
	v6 =	vadd.f32 v10, v6  }
0x2b2: {  	[tilespmem:s0+$0xFFFFFC00] =	vst v0;
	v10 =	vld [tilespmem:s25+$0x10800];
	v4 =	vadd.f32 v11, v4  }
0x2b3: {  	[tilespmem:s25+$0x10400] =	vst v0;
	v11 =	vld [tilespmem:s0+$0x100];
	v6 =	vadd.f32 v60, v6  }
0x2b4: {  	[tilespmem:s0+$0xFFFFFD00] =	vst v0;
	v4 =	vadd.f32 v7, v4  }
0x2b5: {  	[tilespmem:s25+$0x10500] =	vst v0;
	v7 =	vld [tilespmem:s0+$0x200];
	v6 =	vadd.f32 v8, v6  }
0x2b6: {  	[tilespmem:s0+$0xFFFFFE00] =	vst v0;
	v8 =	vld [tilespmem:s25+$0x10A00];
	v4 =	vadd.f32 v5, v4  }
0x2b7: {  	[tilespmem:s0+$0xFFFFFF00] =	vst v0;
	v5 =	vld [tilespmem:s0+$0x300];
	v6 =	vadd.f32 v10, v6  }
0x2b8: {  	[tilespmem:s25+$0x10700] =	vst v0;
	v10 =	vld [tilespmem:s25+$0x10B00];
	v4 =	vadd.f32 v11, v4  }
0x2b9: {  	[tilespmem:s0+$0x0] =	vst v0;
	v11 =	vld [tilespmem:s0+$0x400];
	v6 =	vadd.f32 v61, v6  }
0x2ba: {  	[tilespmem:s25+$0x10800] =	vst v0;
	v4 =	vadd.f32 v7, v4  }
0x2bb: {  	[tilespmem:s0+$0x100] =	vst v0;
	v7 =	vld [tilespmem:s0+$0x500];
	v6 =	vadd.f32 v8, v6  }
0x2bc: {  	[tilespmem:s0+$0x200] =	vst v0;
	v8 =	vld [tilespmem:s25+$0x10D00];
	v4 =	vadd.f32 v5, v4  }
0x2bd: {  	[tilespmem:s25+$0x10A00] =	vst v0;
	v5 =	vadd.f32 v10, v6  }
0x2be: {  	[tilespmem:s0+$0x300] =	vst v0;
	v6 =	vld [tilespmem:s25+$0x10E00];
	v4 =	vadd.f32 v11, v4  }
0x2bf: {  	[tilespmem:s25+$0x10B00] =	vst v0;
	v5 =	vadd.f32 v62, v5  }
0x2c0: {  	s1 =	sor.u32 $0x180, s22;
	s24 =	simm.s32 $0x10830;
	[tilespmem:s0+$0x400] =	vst v0;
	v10 =	vld [tilespmem:s25+$0x10F00];
	v7 =	vadd.f32 v7, v4  }
0x2c1: {  	v3 =	vmov s1;
	[tilespmem:s0+$0x500] =	vst v0;
	v4 =	vld [tilespmem:s24+$0xFFFFFA00];
	v8 =	vadd.f32 v8, v5  }
0x2c2: {  	s22 =	simm.s32 $0x0;
	[tilespmem:s25+$0x10D00] =	vst v0;
	v5 =	vld [tilespmem:s24+$0x700];
	v11 =	vadd.f32 v63, v7  }
0x2c3: {  	s30 =	simm.s32 $0x10;
	s26 =	sand.u32 $0x400, s22;
	[tilespmem:s25+$0x10F00] =	vst v0;
	v7 =	vld [tilespmem:s24+$0xFFFFF900];
	v6 =	vadd.f32 v6, v8  }
0x2c4: {  	s28 =	simm.s32 $0x20;
	s1 =	sadd.s32 s26, s21;
	[tilespmem:s25+$0x10E00] =	vst v0;
	s25 =	sand.u32 $0x70, s30;
	v8 =	vld [tilespmem:s24+$0xFFFFF7F0];
	v11 =	vadd.f32 v9, v11  }
0x2c5: {  	s31 =	sand.u32 $0x60, s23;
	s26 =	sand.u32 $0xE0, s28;
	s25 =	sadd.s32 s25, s1;
	[tilespmem:s24+$0xFFFFF7F0] =	vst v0;
	v9 =	vld [tilespmem:s24+$0xFFFFF800];
	v6 =	vadd.f32 v10, v6  }
0x2c6: {  	s29 =	simm.s32 $0x10850;
	s0 =	sadd.s32 s31, s1;
	v10 =	vld [tilespmem:s26+$0x10100];
	[tilespmem:v3+s25+$0x0 ss:$0x1] =	vst.idx.msk $0xffff, v11;
	s25 =	simm.s32 $0x20  }
.LBB2_20:
0x2c7: {  	v11 =	vld [tilespmem:s29+$0xFFFFFA00];
	[tilespmem:v3+s0+$0x0 ss:$0x1] =	vst.idx.msk $0xffff, v6;
	s22 =	sadd.s32 $0x100, s22;
	v6 =	vmov v5;
	s0 =	smov.u32 s28;
	s28 =	sadd.s32 $0x20, s28  }
0x2c8: {  	p0 =	slt.u32 s28, $0xE0;
	v5 =	vld [tilespmem:s26+$0x10200];
	[tilespmem:s24+$0x700] =	vst v0  }
0x2c9: {  	[tilespmem:s26+$0x10200] =	vst v0;
	v12 =	vld [tilespmem:s24+$0xFFFFFB00]  }
0x2ca: {  	v13 =	vld [tilespmem:s26+$0x10300];
	v7 =	vadd.f32 v7, v9;
	[tilespmem:s24+$0xFFFFFA00] =	vst v0  }
0x2cb: {  	v8 =	vadd.f32 v10, v8;
	[tilespmem:s26+$0x10300] =	vst v0;
	v9 =	vld [tilespmem:s24+$0xFFFFFC00]  }
0x2cc: {  	[tilespmem:s26+$0x10100] =	vst v0;
	v10 =	vld [tilespmem:s26+$0x10400];
	v7 =	vadd.f32 v4, v7;
	v4 =	vmov v11  }
0x2cd: {  	v5 =	vadd.f32 v5, v8;
	[tilespmem:s26+$0x10400] =	vst v0;
	v8 =	vld [tilespmem:s24+$0xFFFFFD00]  }
0x2ce: {  	v11 =	vld [tilespmem:s26+$0x10500];
	v7 =	vadd.f32 v12, v7;
	[tilespmem:s24+$0xFFFFFB00] =	vst v0  }
0x2cf: {  	v5 =	vadd.f32 v13, v5;
	[tilespmem:s26+$0x10500] =	vst v0;
	v12 =	vld [tilespmem:s24+$0xFFFFFE00]  }
0x2d0: {  	v13 =	vld [tilespmem:s26+$0x10600];
	v7 =	vadd.f32 v9, v7;
	[tilespmem:s24+$0xFFFFFC00] =	vst v0  }
0x2d1: {  	v5 =	vadd.f32 v10, v5;
	[tilespmem:s26+$0x10600] =	vst v0;
	v9 =	vld [tilespmem:s24+$0xFFFFFF00]  }
0x2d2: {  	v10 =	vld [tilespmem:s26+$0x10700];
	v7 =	vadd.f32 v8, v7;
	[tilespmem:s24+$0xFFFFFD00] =	vst v0  }
0x2d3: {  	v5 =	vadd.f32 v11, v5;
	[tilespmem:s26+$0x10700] =	vst v0;
	v8 =	vld [tilespmem:s24+$0x0]  }
0x2d4: {  	v11 =	vld [tilespmem:s26+$0x10800];
	v7 =	vadd.f32 v12, v7;
	[tilespmem:s24+$0xFFFFFE00] =	vst v0  }
0x2d5: {  	v5 =	vadd.f32 v13, v5;
	[tilespmem:s26+$0x10800] =	vst v0;
	v12 =	vld [tilespmem:s24+$0x100]  }
0x2d6: {  	v13 =	vld [tilespmem:s26+$0x10900];
	v7 =	vadd.f32 v9, v7;
	[tilespmem:s24+$0x0] =	vst v0  }
0x2d7: {  	v5 =	vadd.f32 v10, v5;
	[tilespmem:s26+$0x10900] =	vst v0;
	v9 =	vld [tilespmem:s24+$0x200]  }
0x2d8: {  	v10 =	vld [tilespmem:s26+$0x10A00];
	v7 =	vadd.f32 v8, v7;
	[tilespmem:s24+$0x100] =	vst v0  }
0x2d9: {  	v5 =	vadd.f32 v11, v5;
	[tilespmem:s24+$0x200] =	vst v0;
	v8 =	vld [tilespmem:s24+$0x300]  }
0x2da: {  	v11 =	vld [tilespmem:s26+$0x10B00];
	v7 =	vadd.f32 v12, v7;
	[tilespmem:s24+$0x300] =	vst v0  }
0x2db: {  	v5 =	vadd.f32 v13, v5;
	[tilespmem:s26+$0x10B00] =	vst v0;
	v12 =	vld [tilespmem:s24+$0x400]  }
0x2dc: {  	v13 =	vld [tilespmem:s26+$0x10C00];
	v7 =	vadd.f32 v9, v7;
	[tilespmem:s24+$0x400] =	vst v0  }
0x2dd: {  	v5 =	vadd.f32 v10, v5;
	[tilespmem:s24+$0xFFFFFF00] =	vst v0;
	v9 =	vld [tilespmem:s24+$0x500]  }
0x2de: {  	v10 =	vld [tilespmem:s26+$0x10D00];
	v7 =	vadd.f32 v8, v7;
	[tilespmem:s24+$0x500] =	vst v0  }
0x2df: {  	v5 =	vadd.f32 v11, v5;
	[tilespmem:s24+$0xFFFFF900] =	vst v0;
	v8 =	vld [tilespmem:s24+$0x600]  }
0x2e0: {  	v11 =	vld [tilespmem:s26+$0x10E00];
	v7 =	vadd.f32 v12, v7;
	[tilespmem:s24+$0x600] =	vst v0  }
0x2e1: {  	[tilespmem:s26+$0x10A00] =	vst v0;
	v5 =	vadd.f32 v13, v5;
	v12 =	vld [tilespmem:s26+$0x10F00]  }
0x2e2: {  	[tilespmem:s26+$0x10F00] =	vst v0;
	v7 =	vadd.f32 v9, v7  }
0x2e3: {  	v9 =	vadd.f32 v10, v5;
	[tilespmem:s26+$0x10E00] =	vst v0  }
.Ltmp8:
0x2e4: {  	v5 =	vld [tilespmem:s29+$0x700];
	[tilespmem:s26+$0x10D00] =	vst v0;
	v10 =	vadd.f32 v8, v7;
	(pc) =	sbr.rel @p0 .LBB2_20-.Ltmp8, $4  }
0x2e5: {  	s1 =	sand.u32 $0x400, s22;
	v7 =	vld [tilespmem:s29+$0xFFFFF900];
	[tilespmem:s26+$0x10C00] =	vst v0;
	v11 =	vadd.f32 v11, v9;
	s26 =	sadd.s32 $0x30, s23;
	s23 =	smov.u32 s0  }
0x2e6: {  	s0 =	sadd.s32 s1, s21;
	v8 =	vld [tilespmem:s29+$0xFFFFF7F0];
	s1 =	sand.u32 $0x70, s26;
	[tilespmem:s24+$0xFFFFF800] =	vst v0;
	v13 =	vadd.f32 v6, v10;
	s24 =	smov.u32 s29  }
0x2e7: {  	s25 =	sand.u32 $0x60, s25;
	s26 =	sand.u32 $0xE0, s28;
	[tilespmem:s29+$0xFFFFF7F0] =	vst v0;
	v9 =	vld [tilespmem:s29+$0xFFFFF800];
	v6 =	vadd.f32 v12, v11;
	s1 =	sadd.s32 s1, s0  }
0x2e8: {  	s29 =	sadd.s32 $0x20, s29;
	s0 =	sadd.s32 s25, s0;
	s25 =	smov.u32 s28;
	v10 =	vld [tilespmem:s26+$0x10100];
	[tilespmem:v3+s1+$0x0 ss:$0x1] =	vst.idx.msk $0xffff, v13  }
0x2e9: {  	_ = 	snop  }
0x2ea: {  	v11 =	vld [tilespmem:s26+$0x10200];
	[tilespmem:s24+$0x700] =	vst v0  }
0x2eb: {  	[tilespmem:s26+$0x10200] =	vst v0;
	v12 =	vld [tilespmem:s24+$0xFFFFFB00]  }
0x2ec: {  	v13 =	vld [tilespmem:s26+$0x10300];
	[tilespmem:s24+$0xFFFFFA00] =	vst v0;
	v7 =	vadd.f32 v7, v9  }
0x2ed: {  	[tilespmem:s26+$0x10300] =	vst v0;
	v14 =	vld [tilespmem:s24+$0xFFFFFC00];
	v8 =	vadd.f32 v10, v8  }
0x2ee: {  	[tilespmem:s26+$0x10100] =	vst v0;
	v15 =	vld [tilespmem:s26+$0x10400];
	v4 =	vadd.f32 v4, v7  }
0x2ef: {  	[tilespmem:s26+$0x10400] =	vst v0;
	v41 =	vld [tilespmem:s24+$0xFFFFFD00];
	v8 =	vadd.f32 v11, v8  }
0x2f0: {  	v42 =	vld [tilespmem:s26+$0x10500];
	[tilespmem:s24+$0xFFFFFB00] =	vst v0;
	v4 =	vadd.f32 v12, v4  }
0x2f1: {  	[tilespmem:s26+$0x10500] =	vst v0;
	v43 =	vld [tilespmem:s24+$0xFFFFFE00];
	v8 =	vadd.f32 v13, v8  }
0x2f2: {  	v44 =	vld [tilespmem:s26+$0x10600];
	[tilespmem:s24+$0xFFFFFC00] =	vst v0;
	v4 =	vadd.f32 v14, v4  }
0x2f3: {  	[tilespmem:s26+$0x10600] =	vst v0;
	v45 =	vld [tilespmem:s24+$0xFFFFFF00];
	v8 =	vadd.f32 v15, v8  }
0x2f4: {  	v46 =	vld [tilespmem:s26+$0x10700];
	[tilespmem:s24+$0xFFFFFD00] =	vst v0;
	v4 =	vadd.f32 v41, v4  }
0x2f5: {  	[tilespmem:s26+$0x10700] =	vst v0;
	v47 =	vld [tilespmem:s24+$0x0];
	v8 =	vadd.f32 v42, v8  }
0x2f6: {  	v48 =	vld [tilespmem:s26+$0x10800];
	[tilespmem:s24+$0xFFFFFE00] =	vst v0;
	v4 =	vadd.f32 v43, v4  }
0x2f7: {  	[tilespmem:s26+$0x10800] =	vst v0;
	v49 =	vld [tilespmem:s24+$0x100];
	v8 =	vadd.f32 v44, v8  }
0x2f8: {  	v50 =	vld [tilespmem:s26+$0x10900];
	[tilespmem:s24+$0x0] =	vst v0;
	v4 =	vadd.f32 v45, v4  }
0x2f9: {  	[tilespmem:s26+$0x10900] =	vst v0;
	v51 =	vld [tilespmem:s24+$0x200];
	v8 =	vadd.f32 v46, v8  }
0x2fa: {  	[tilespmem:s24+$0x100] =	vst v0;
	v52 =	vld [tilespmem:s26+$0x10A00];
	v4 =	vadd.f32 v47, v4  }
0x2fb: {  	[tilespmem:s24+$0x200] =	vst v0;
	v53 =	vld [tilespmem:s24+$0x300];
	v8 =	vadd.f32 v48, v8  }
0x2fc: {  	v54 =	vld [tilespmem:s26+$0x10B00];
	[tilespmem:s24+$0x300] =	vst v0;
	v4 =	vadd.f32 v49, v4  }
0x2fd: {  	[tilespmem:s26+$0x10B00] =	vst v0;
	v55 =	vld [tilespmem:s24+$0x400];
	v8 =	vadd.f32 v50, v8  }
0x2fe: {  	[tilespmem:s24+$0x400] =	vst v0;
	v56 =	vld [tilespmem:s26+$0x10C00];
	v4 =	vadd.f32 v51, v4  }
0x2ff: {  	[tilespmem:s24+$0xFFFFFF00] =	vst v0;
	v57 =	vld [tilespmem:s24+$0x500];
	v8 =	vadd.f32 v52, v8  }
0x300: {  	[tilespmem:s24+$0x500] =	vst v0;
	v58 =	vld [tilespmem:s26+$0x10D00];
	v4 =	vadd.f32 v53, v4  }
0x301: {  	[tilespmem:s24+$0xFFFFF900] =	vst v0;
	v59 =	vld [tilespmem:s24+$0x600];
	v8 =	vadd.f32 v54, v8  }
0x302: {  	[tilespmem:v3+s0+$0x0 ss:$0x1] =	vst.idx.msk $0xffff, v6;
	v60 =	vld [tilespmem:s26+$0x10E00];
	v4 =	vadd.f32 v55, v4  }
0x303: {  	[tilespmem:s26+$0x10A00] =	vst v0;
	v8 =	vadd.f32 v56, v8  }
0x304: {  	[tilespmem:s24+$0x600] =	vst v0;
	v61 =	vld [tilespmem:s26+$0x10F00];
	v4 =	vadd.f32 v57, v4  }
0x305: {  	[tilespmem:s26+$0x10F00] =	vst v0;
	s20 =	sadd.s32 $0x1, s20;
	v62 =	vadd.f32 v58, v8  }
0x306: {  	s30 =	sadd.s32 $0x100, s22;
	[tilespmem:s26+$0x10E00] =	vst v0;
	p0 =	sne.s32 s20, $0x4;
	v4 =	vadd.f32 v59, v4  }
.Ltmp9:
0x307: {  	[tilespmem:s26+$0x10D00] =	vst v0;
	s1 =	sadd.s32 $0x30, s23;
	s0 =	sand.u32 $0x400, s30;
	v6 =	vadd.f32 v60, v62;
	(pc) =	sbr.rel @p0 .LBB2_5-.Ltmp9, $4  }
0x308: {  	[tilespmem:s26+$0x10C00] =	vst v0;
	s1 =	sand.u32 $0x70, s1;
	s0 =	sadd.s32 s0, s21;
	v4 =	vadd.f32 v5, v4  }
0x309: {  	[tilespmem:s24+$0xFFFFF800] =	vst v0;
	s31 =	sand.u32 $0x60, s25;
	s1 =	sadd.s32 s1, s0;
	v63 =	vadd.f32 v61, v6  }
0x30a: {  	s0 =	sadd.s32 s31, s0;
	[tilespmem:v3+s1+$0x0 ss:$0x1] =	vst.idx.msk $0xffff, v4  }
0x30b: {  	[tilespmem:v3+s0+$0x0 ss:$0x1] =	vst.idx.msk $0xffff, v63  }
0x30c: {  	s0 =	sshll.u32 s18, $0x9;
	s18 =	sadd.s32 $0x1, s18  }
0x30d: {  	p0 =	sne.s32 s18, $0x8  }
.Ltmp10:
0x30e: {  	s0 =	sadd.s32 s0, s7;
	(pc) =	sbr.rel @p0 .LBB2_4-.Ltmp10, $4  }
0x30f: {  	[hbm4b:s0+s3] =	stream.linear.scatter [tilespmem:s15], [sflag:$0x3], $0x1000, $0x38;
	[tilespmem:$0x12000] =	vst v63  }
0x310: {  	_ =	swait.ge [sflag:s16], $0x1000  }
0x311: {  	[sflag:s16] =	ssyncset.done $0x0  }
0x312: {  	[sflag:s16] =	ssyncadd.s32 $0xFFFFF000  }
0x313: {  	s17 =	sadd.s32 $0x1, s17  }
0x314: {  	p0 =	sne.s32 s17, s8  }
.Ltmp11:
0x315: {  	_ = 	snop;
	(pc) =	sbr.rel @p0 .LBB2_1-.Ltmp11, $4  }
0x316: {  	_ = 	snop  }
0x317: {  	_ =	swait.ge [sflag:s12], $0x8000  }
0x318: {  	[sflag:s12] =	ssyncset.done $0x0  }
0x319: {  	[sflag:s12] =	ssyncadd.s32 $0xFFFF8000  }
0x31a: {  	_ =	sfence.sel $0x180000  }
0x31b: {  	[bflag:$0x0] =	sbarrier.arrive $0xFFFF  }
0x31c: {  	_ =	strace $0x90000047  }
0x31d: {  	s0 =	stileid.u32;
	[bflag:$0x2] =	sbarrier.arrive $0xFFFF  }
0x31e: {  	p0 =	sne.s32 s0, $0x0;
	s0 =	rddreg [dreg:$0x2]  }
0x31f: {  	s0 =	sadd.s32 @!p0 $0x100000, s0  }
0x320: {  	[sflag:s0] =	ssyncadd.tile.s32 @!p0 $0x1;
	_ =	shalt  }
.Lfunc_end2:
_tile_overlayer_lowered:
.L_overlay_start_2:
0x321: {  	(tag) =	ssettag $0x2  }
0x322: {  	s0 =	rddreg [dreg:$0x0];
	s2 =	stileid.u32  }
0x323: {  	s1 =	rddreg [dreg:$0x1];
	p0 =	sne.s32 s2, $0x0  }
0x324: {  	s3 =	rddreg [dreg:$0x2];
	[bflag:$0x3] =	sbarrier.arrive $0xFFFF;
	s2 =	simm.s32 @!p0 $0x1C01  }
0x325: {  	[timem:s3], [sflag:s2] =	dma.local @!p0 [hbm:s0], s1  }
0x326: {  	s0 =	simm.s32 @!p0 $0x1  }
0x327: {  	_ =	swait.ge @!p0 [sflag:s0], s1  }
0x328: {  	s1 =	ssub.s32 @!p0 $0x0, s1;
	[sflag:s0] =	ssyncset.done @!p0 $0x0  }
0x329: {  	[sflag:s0] =	ssyncadd.s32 @!p0 s1  }
0x32a: {  	[bflag:$0x3] =	sbarrier.arrive $0xFFFF  }
0x32b: {  	_ =	shalt  }

</sc_bundles>
